<compile_context>
chip_gen: v7x
topology: tpu7x:2x2x1
jax: 0.10.2.dev20260603
libtpu: 0.0.44.dev20260713+nightly
codegen_flags: <defaults>
</compile_context>

<pallas_src>
import functools

import jax
import jax.numpy as jnp
from jax import lax
from jax.experimental import pallas as pl
from jax.experimental.pallas import tpu as pltpu
from jax.experimental.pallas import tpu_sc as plsc

GAMMA = 24.0
EPSILON = 2.0
PI = 3.1415926235897933
CEN = 0.02

_SIN_C = (0.9992640132944054, -0.1659420059380378, 0.008133999276783122,
          -0.00017582908199485422, 1.5957289227763738e-06)

CH = 64
RCH = 8
NLANE = 16


def _sin_poly(x):
    x2 = x * x
    p = jnp.float32(_SIN_C[-1])
    for c in _SIN_C[-2::-1]:
        p = p * x2 + jnp.float32(c)
    return x * p


def _bf16_bits(x):
    return lax.bitcast_convert_type(
        x.astype(jnp.bfloat16).astype(jnp.float32), jnp.uint32)


def _tc_pack_entity(half_inv, emod, ephase):
    ne, dim = emod.shape
    br = 2000
    assert ne % br == 0

    def body(m_r, p_r, out_r):
        m = _bf16_bits(m_r[...])
        p = _bf16_bits(p_r[...] * half_inv)
        out_r[...] = lax.bitcast_convert_type(p | (m >> 16), jnp.int32)

    return pl.pallas_call(
        body,
        grid=(ne // br,),
        in_specs=[pl.BlockSpec((br, dim), lambda i: (i, 0)),
                  pl.BlockSpec((br, dim), lambda i: (i, 0))],
        out_specs=pl.BlockSpec((br, dim), lambda i: (i, 0)),
        out_shape=jax.ShapeDtypeStruct((ne, dim), jnp.int32),
    )(emod, ephase)


def _tc_pack_relation(half_inv, rmod, rbias, rphase, rrad):
    nr, dim = rmod.shape

    def body(m_r, b_r, p_r, r_r, out_r):
        out_r[:, :dim] = m_r[...]
        out_r[:, dim:2 * dim] = b_r[...]
        out_r[:, 2 * dim:3 * dim] = p_r[...] * half_inv
        out_r[:, 3 * dim:] = jnp.broadcast_to(r_r[...], (nr, dim))

    return pl.pallas_call(
        body,
        out_shape=jax.ShapeDtypeStruct((nr, 4 * dim), jnp.float32),
    )(rmod, rbias, rphase, rrad)


def _sc_gather(nw, hpw, dim, ne, nr, ecomb, erad, rcomb,
               hidx, ridx, nidx, with_head):
    bsl, nneg = nidx.shape
    nneg_rows = bsl * nneg
    nb = hidx.shape[0]
    qpw = bsl // nw
    nring = 2
    assert qpw % nring == 0 and nneg == CH
    f32 = jnp.float32
    i32 = jnp.int32

    mesh = plsc.VectorSubcoreMesh(core_axis_name="c", subcore_axis_name="s")

    out_type = [
        jax.ShapeDtypeStruct((nneg_rows, dim), i32),
        jax.ShapeDtypeStruct((nneg_rows,), f32),
    ]
    if with_head:
        out_type += [
            jax.ShapeDtypeStruct((nb, dim), i32),
            jax.ShapeDtypeStruct((nb,), f32),
            jax.ShapeDtypeStruct((nb, 4 * dim), f32),
        ]

    @functools.partial(
        pl.kernel,
        out_type=out_type,
        mesh=mesh,
        compiler_params=pltpu.CompilerParams(needs_layout_passes=False),
        scratch_types=[
            pltpu.VMEM((ne,), f32),
            pltpu.VMEM((bsl // (2 * nw), CH), i32),
            [pltpu.VMEM((CH, dim), i32) for _ in range(nring)],
            [pltpu.VMEM((CH,), f32) for _ in range(nring)],
            pltpu.VMEM((CH,), i32),
            pltpu.VMEM((RCH, 4 * dim), f32),
            [pltpu.SemaphoreType.DMA for _ in range(nring)],
            [pltpu.SemaphoreType.DMA for _ in range(nring)],
        ],
    )
    def gather_kernel(ecomb_h, erad_h, rcomb_h, hidx_h, ridx_h, nidx_h,
                      *out_and_scratch):
        if with_head:
            (tcomb_o, trad_o, hcomb_o, hrad_o, rcomb_o,
             erad_v, idxall, rows, rads, hidx_v, relbuf, gsems,
             wsems) = out_and_scratch
        else:
            (tcomb_o, trad_o,
             erad_v, idxall, rows, rads, hidx_v, relbuf, gsems,
             wsems) = out_and_scratch
        wid = lax.axis_index("s") * 2 + lax.axis_index("c")
        pltpu.sync_copy(erad_h, erad_v)

        qbase = wid * qpw
        qph = qpw // 2

        for half in range(2):
            hq = qbase + half * qph
            pltpu.sync_copy(nidx_h.at[pl.ds(hq, qph)], idxall)

            def consume_refill(cc, row_v, rad_v, gs, ws):
                off = (hq + cc) * nneg
                pltpu.make_async_copy(ecomb_h.at[idxall.at[cc]], row_v,
                                      gs).wait()
                for k in range(CH // NLANE):
                    iv = idxall[cc, pl.ds(k * NLANE, NLANE)]
                    rad_v[pl.ds(k * NLANE, NLANE)] = plsc.load_gather(
                        erad_v, [iv])
                pltpu.async_copy(row_v, tcomb_o.at[pl.ds(off, CH)], ws)
                pltpu.async_copy(rad_v, trad_o.at[pl.ds(off, CH)], ws)

                @pl.when(cc + nring < qph)
                def _():
                    pltpu.make_async_copy(
                        row_v, tcomb_o.at[pl.ds(off, CH)], ws).wait()
                    pltpu.make_async_copy(
                        rad_v, trad_o.at[pl.ds(off, CH)], ws).wait()
                    pltpu.async_copy(ecomb_h.at[idxall.at[cc + nring]],
                                     row_v, gs)

            for r in range(nring):
                pltpu.async_copy(ecomb_h.at[idxall.at[r]], rows[r],
                                 gsems[r])

            def group(g, carry):
                for r in range(nring):
                    consume_refill(nring * g + r, rows[r], rads[r],
                                   gsems[r], wsems[r])
                return carry

            lax.fori_loop(0, qph // nring, group, 0)
            for r in range(nring):
                pltpu.make_async_copy(rows[r], tcomb_o.at[pl.ds(0, CH)],
                                      wsems[r]).wait()
                pltpu.make_async_copy(rads[r], trad_o.at[pl.ds(0, CH)],
                                      wsems[r]).wait()

        if with_head:
            hbase = wid * hpw
            for c in range(hpw // CH):
                off = hbase + c * CH
                pltpu.sync_copy(hidx_h.at[pl.ds(off, CH)], hidx_v)
                pltpu.async_copy(ecomb_h.at[hidx_v], rows[0], gsems[0]).wait()
                for k in range(CH // NLANE):
                    iv = hidx_v[pl.ds(k * NLANE, NLANE)]
                    rads[0][pl.ds(k * NLANE, NLANE)] = plsc.load_gather(
                        erad_v, [iv])
                pltpu.sync_copy(rows[0], hcomb_o.at[pl.ds(off, CH)])
                pltpu.sync_copy(rads[0], hrad_o.at[pl.ds(off, CH)])

            for c in range(hpw // CH):
                off = hbase + c * CH
                pltpu.sync_copy(ridx_h.at[pl.ds(off, CH)], hidx_v)
                for s in range(CH // RCH):
                    iv = hidx_v.at[pl.ds(s * RCH, RCH)]
                    pltpu.async_copy(rcomb_h.at[iv], relbuf,
                                     gsems[0]).wait()
                    pltpu.sync_copy(
                        relbuf, rcomb_o.at[pl.ds(off + s * RCH, RCH)])

    return gather_kernel(ecomb, erad, rcomb, hidx, ridx, nidx)


def _tc_score(erange, hcomb, hrad, rcombg, mod_weight, phase_weight,
              tcomb, trad, qoff):
    bsl, nneg, dim = tcomb.shape
    bq = 128
    qofb = qoff // bq
    inv_er = 1.0 / erange
    f32 = jnp.float32
    u32 = jnp.uint32

    def unpack(x_i32):
        u = lax.bitcast_convert_type(x_i32, u32)
        lo = lax.bitcast_convert_type(u << 16, f32)
        hi = lax.bitcast_convert_type(u & jnp.uint32(0xFFFF0000),
                                      f32)
        return lo, hi

    def body(mw_r, pw_r, hcomb_r, hrad_r, rcomb_r, tcomb_r, trad_r, out_r):
        mw = mw_r[0, 0]
        pw = pw_r[0, 0]
        hmod, hph = unpack(hcomb_r[...])
        rc = rcomb_r[...]
        rm = jnp.abs(rc[:, :dim])
        rb = jnp.minimum(rc[:, dim:2 * dim], 1.0)
        rb = jnp.where(rb < -rm, -rm, rb)
        rph = rc[:, 2 * dim:3 * dim]
        rrad = rc[:, 3 * dim:3 * dim + 1]
        mod_e = hmod * (rm + rb)
        ph_half = hph + rph
        rad_e = jnp.abs(hrad_r[...] * inv_er) * jnp.abs(rrad)
        scale = 1.0 - rb

        tmod, tph = unpack(tcomb_r[...])
        md = mod_e[:, None, :] - tmod * scale[:, None, :]
        mod_dist = jnp.sqrt(jnp.sum(md * md, axis=-1))
        pd = ph_half[:, None, :] - tph
        phase_dist = jnp.sum(jnp.abs(_sin_poly(pd)), axis=-1)
        rad_dist = jnp.abs(rad_e + jnp.abs(trad_r[...] * inv_er))
        out_r[...] = GAMMA - (mw * mod_dist + pw * phase_dist
                              - CEN * rad_dist)

    smem = pl.BlockSpec(memory_space=pltpu.SMEM)
    return pl.pallas_call(
        body,
        grid=(bsl // bq,),
        in_specs=[
            smem,
            smem,
            pl.BlockSpec((bq, dim), lambda i: (i + qofb, 0)),
            pl.BlockSpec((bq, 1), lambda i: (i + qofb, 0)),
            pl.BlockSpec((bq, 4 * dim), lambda i: (i + qofb, 0)),
            pl.BlockSpec((bq, nneg, dim), lambda i: (i, 0, 0)),
            pl.BlockSpec((bq, nneg), lambda i: (i, 0)),
        ],
        out_specs=pl.BlockSpec((bq, nneg), lambda i: (i, 0)),
        out_shape=jax.ShapeDtypeStruct((bsl, nneg), jnp.float32),
    )(mod_weight, phase_weight, hcomb, hrad, rcombg, tcomb, trad)


def kernel(entity_mod, entity_phase, entity_radius, relation_mod,
           relation_phase, relation_bias, relation_radius, mod_weight,
           phase_weight, head_idx, rel_idx, neg_idx):
    b, nneg = neg_idx.shape
    dim = entity_mod.shape[1]
    ne = entity_mod.shape[0]
    nr = relation_mod.shape[0]
    erange = (GAMMA + EPSILON) / dim
    half_inv = PI / erange * 0.5

    nw = 32
    hpw = b // nw
    assert hpw % CH == 0 and nneg == CH

    ecomb = _tc_pack_entity(half_inv, entity_mod, entity_phase)
    rcomb = _tc_pack_relation(half_inv, relation_mod, relation_bias,
                              relation_phase, relation_radius)
    erad = entity_radius.reshape(-1)

    k_sl = 1
    bsl = b // k_sl

    gathered = []
    hcomb = hrad = rcombg = None
    for k in range(k_sl):
        nidx_k = lax.slice_in_dim(neg_idx, k * bsl, (k + 1) * bsl, axis=0)
        res = _sc_gather(nw, hpw, dim, ne, nr, ecomb, erad, rcomb,
                         head_idx, rel_idx, nidx_k, with_head=(k == 0))
        if k == 0:
            tcomb_k, trad_k, hcomb, hrad, rcombg = res
        else:
            tcomb_k, trad_k = res
        gathered.append((tcomb_k, trad_k))
    hrad = hrad[:, None]

    outs = []
    for k in range(k_sl):
        tcomb_k, trad_k = gathered[k]
        outs.append(_tc_score(
            erange, hcomb, hrad, rcombg, mod_weight, phase_weight,
            tcomb_k.reshape(bsl, nneg, dim), trad_k.reshape(bsl, nneg),
            k * bsl))
    return jnp.concatenate(outs, axis=0)

# --- scband reference (transcript-rebuilt; emitter-appended) ---
"""Pipeline reference for scband-spher-e-71631464563407 (READ-ONLY COPY).

The authoritative reference and input builder live on the scoring server;
editing this copy changes nothing except your own understanding.
"""

import jax, jax.numpy as jnp
import numpy as np

NENTITY = 100000
NRELATION = 1000
DIM = 128
B = 4096
NNEG = 64
GAMMA = 24.0
EPSILON = 2.0
ERANGE = (GAMMA + EPSILON) / DIM
PI = 3.1415926235897933
CEN = 0.02


def setup_inputs(seed: int = 0) -> dict:
    key = jax.random.key(seed)
    ks = jax.random.split(key, 10)
    entity_mod = jax.random.uniform(ks[0], (NENTITY, DIM), minval=-ERANGE, maxval=ERANGE, dtype=jnp.float32)
    entity_phase = jax.random.uniform(ks[1], (NENTITY, DIM), minval=-ERANGE, maxval=ERANGE, dtype=jnp.float32)
    entity_radius = jax.random.uniform(ks[2], (NENTITY, 1), minval=0.0, maxval=ERANGE, dtype=jnp.float32)
    relation_mod = jnp.ones((NRELATION, DIM), dtype=jnp.float32)
    relation_phase = jax.random.uniform(ks[3], (NRELATION, DIM), minval=-ERANGE, maxval=ERANGE, dtype=jnp.float32)
    relation_bias = jnp.zeros((NRELATION, DIM), dtype=jnp.float32)
    relation_radius = jnp.ones((NRELATION, 1), dtype=jnp.float32)
    mod_weight = jnp.array([[1.0]], dtype=jnp.float32)
    phase_weight = jnp.array([[0.5 * ERANGE]], dtype=jnp.float32)
    head_idx = jax.random.randint(ks[4], (B,), 0, NENTITY, dtype=jnp.int32)
    rel_idx = jax.random.randint(ks[5], (B,), 0, NRELATION, dtype=jnp.int32)
    neg_idx = jax.random.randint(ks[6], (B, NNEG), 0, NENTITY, dtype=jnp.int32)
    return {
        'entity_mod': entity_mod, 'entity_phase': entity_phase, 'entity_radius': entity_radius,
        'relation_mod': relation_mod, 'relation_phase': relation_phase, 'relation_bias': relation_bias,
        'relation_radius': relation_radius, 'mod_weight': mod_weight, 'phase_weight': phase_weight,
        'head_idx': head_idx, 'rel_idx': rel_idx, 'neg_idx': neg_idx,
    }


def reference(entity_mod, entity_phase, entity_radius, relation_mod, relation_phase,
              relation_bias, relation_radius, mod_weight, phase_weight,
              head_idx, rel_idx, neg_idx):
    # embed_query for 1p structure ('e', ('r',)): entity lookup then relation projection
    mod_e = jnp.take(entity_mod, head_idx, axis=0)
    phase_e = jnp.take(entity_phase, head_idx, axis=0) / (ERANGE / PI)
    # convert_radius with activation='none' -> abs
    radius_e = jnp.abs(jnp.take(entity_radius, head_idx, axis=0) / ERANGE)

    r_mod = jnp.abs(jnp.take(relation_mod, rel_idx, axis=0))
    r_phase = jnp.take(relation_phase, rel_idx, axis=0) / (ERANGE / PI)
    r_bias = jnp.take(relation_bias, rel_idx, axis=0)
    r_radius = jnp.abs(jnp.take(relation_radius, rel_idx, axis=0))

    # SphereProjection.forward
    r_bias = jnp.minimum(r_bias, 1.0)
    r_bias = jnp.where(r_bias < -r_mod, -r_mod, r_bias)
    mod_e = mod_e * (r_mod + r_bias)
    phase_e = phase_e + r_phase
    radius_e = radius_e * r_radius

    # tail (negative sample) embeddings via get_embedding_e
    tail_mod = jnp.take(entity_mod, neg_idx, axis=0)              # [B, NNEG, D]
    tail_phase = jnp.take(entity_phase, neg_idx, axis=0) / (ERANGE / PI)
    tail_radius = jnp.abs(jnp.take(entity_radius, neg_idx, axis=0) / ERANGE)  # [B, NNEG, 1]

    # cal_logit_sphere
    mod_dist = mod_e[:, None, :] - tail_mod * (1.0 - r_bias[:, None, :])
    mod_dist = jnp.sqrt(jnp.sum(mod_dist * mod_dist, axis=-1))
    phase_dist = phase_e[:, None, :] - tail_phase
    phase_dist = jnp.sum(jnp.abs(jnp.sin(phase_dist / 2.0)), axis=-1)
    radius_dist = radius_e[:, None, :] + tail_radius
    radius_dist = jnp.sum(jnp.abs(radius_dist), axis=-1)
    dist = mod_weight * mod_dist + phase_weight * phase_dist - CEN * radius_dist
    logit = GAMMA - dist
    return logit

if __name__ == "__main__":
    import jax
    _d = setup_inputs()
    print(jax.jit(kernel)(*tuple(_d.values())))

</pallas_src>

<mosaic_0001>
#map = affine_map<(d0, d1) -> (0, 0)>
#map1 = affine_map<(d0, d1) -> (0)>
module attributes {stable_mosaic.version = 14 : i64} {
  func.func @gather_kernel(%arg0: i32, %arg1: i32, %arg2: memref<100000x128xi32, #tpu.memory_space<hbm>>, %arg3: memref<100000xf32, #tpu.memory_space<hbm>>, %arg4: memref<1000x512xf32, #tpu.memory_space<hbm>>, %arg5: memref<4096xi32, #tpu.memory_space<hbm>>, %arg6: memref<4096xi32, #tpu.memory_space<hbm>>, %arg7: memref<4096x64xi32, #tpu.memory_space<hbm>>, %arg8: memref<262144x128xi32, #tpu.memory_space<hbm>>, %arg9: memref<262144xf32, #tpu.memory_space<hbm>>, %arg10: memref<4096x128xi32, #tpu.memory_space<hbm>>, %arg11: memref<4096xf32, #tpu.memory_space<hbm>>, %arg12: memref<4096x512xf32, #tpu.memory_space<hbm>>, %arg13: memref<100000xf32, #tpu.memory_space<vmem>>, %arg14: memref<64x64xi32, #tpu.memory_space<vmem>>, %arg15: memref<64x128xi32, #tpu.memory_space<vmem>>, %arg16: memref<64x128xi32, #tpu.memory_space<vmem>>, %arg17: memref<64xf32, #tpu.memory_space<vmem>>, %arg18: memref<64xf32, #tpu.memory_space<vmem>>, %arg19: memref<64xi32, #tpu.memory_space<vmem>>, %arg20: memref<8x512xf32, #tpu.memory_space<vmem>>, %arg21: memref<!tpu.dma_semaphore, #tpu.memory_space<semaphore_mem>>, %arg22: memref<!tpu.dma_semaphore, #tpu.memory_space<semaphore_mem>>, %arg23: memref<!tpu.dma_semaphore, #tpu.memory_space<semaphore_mem>>, %arg24: memref<!tpu.dma_semaphore, #tpu.memory_space<semaphore_mem>>) attributes {dimension_semantics = [#tpu.dimension_semantics<core_parallel>, #tpu.dimension_semantics<subcore_parallel>], iteration_bounds = array<i64: 2, 16>, scalar_prefetch = 0 : i64, scratch_operands = 12 : i64, tpu.core_type = #tpu.core_type<sc_vector_subcore>, window_params = [{transform_indices = #map}, {transform_indices = #map1}, {transform_indices = #map}, {transform_indices = #map1}, {transform_indices = #map1}, {transform_indices = #map}, {transform_indices = #map}, {transform_indices = #map1}, {transform_indices = #map}, {transform_indices = #map1}, {transform_indices = #map}]} {
    %mul3A = arith.constant 2 : i32
    %mul3A_0 = arith.muli %arg1, %mul3A : i32
    %add3A = arith.addi %mul3A_0, %arg0 : i32
    "tpu.region"() ({
      %run_scoped3A = tpu.sem_alloc : memref<!tpu.dma_semaphore, #tpu.memory_space<semaphore_mem>>
      tpu.enqueue_dma source(%arg3 : memref<100000xf32, #tpu.memory_space<hbm>>) target(%arg13 : memref<100000xf32, #tpu.memory_space<vmem>>) target_semaphore(%run_scoped3A : memref<!tpu.dma_semaphore, #tpu.memory_space<semaphore_mem>>)
      tpu.wait_dma2 semaphore(%run_scoped3A : memref<!tpu.dma_semaphore, #tpu.memory_space<semaphore_mem>>) src(%arg3 : memref<100000xf32, #tpu.memory_space<hbm>>) dst(%arg13 : memref<100000xf32, #tpu.memory_space<vmem>>)
      tpu.yield
    }) : () -> ()
    %mul3A_1 = arith.constant 128 : i32
    %mul3A_2 = arith.muli %add3A, %mul3A_1 : i32
    %add3A_3 = arith.constant 0 : i32
    %add3A_4 = arith.addi %mul3A_2, %add3A_3 : i32
    "tpu.region"() ({
      %run_scoped3A = tpu.sem_alloc : memref<!tpu.dma_semaphore, #tpu.memory_space<semaphore_mem>>
      %dma_start3A_335 = arith.constant 0 : i32
      %dma_start3A_336 = tpu.memref_slice %arg7[%add3A_4, %dma_start3A_335] : memref<4096x64xi32, #tpu.memory_space<hbm>> -> memref<64x64xi32, #tpu.memory_space<hbm>>
      %dma_start3A_337 = arith.constant 0 : i32
      %dma_start3A_338 = tpu.memref_slice %arg7[%add3A_4, %dma_start3A_337] : memref<4096x64xi32, #tpu.memory_space<hbm>> -> memref<64x64xi32, #tpu.memory_space<hbm>>
      tpu.enqueue_dma source(%dma_start3A_338 : memref<64x64xi32, #tpu.memory_space<hbm>>) target(%arg14 : memref<64x64xi32, #tpu.memory_space<vmem>>) target_semaphore(%run_scoped3A : memref<!tpu.dma_semaphore, #tpu.memory_space<semaphore_mem>>)
      %dma_wait3A_339 = arith.constant 0 : i32
      %dma_wait3A_340 = tpu.memref_slice %arg7[%add3A_4, %dma_wait3A_339] : memref<4096x64xi32, #tpu.memory_space<hbm>> -> memref<64x64xi32, #tpu.memory_space<hbm>>
      %dma_wait3A_341 = arith.constant 0 : i32
      %dma_wait3A_342 = tpu.memref_slice %arg7[%add3A_4, %dma_wait3A_341] : memref<4096x64xi32, #tpu.memory_space<hbm>> -> memref<64x64xi32, #tpu.memory_space<hbm>>
      tpu.wait_dma2 semaphore(%run_scoped3A : memref<!tpu.dma_semaphore, #tpu.memory_space<semaphore_mem>>) src(%dma_wait3A_342 : memref<64x64xi32, #tpu.memory_space<hbm>>) dst(%arg14 : memref<64x64xi32, #tpu.memory_space<vmem>>)
      tpu.yield
    }) : () -> ()
    %dma_start3A = arith.constant 0 : i32
    %dma_start3A_5 = arith.constant 0 : i32
    %dma_start3A_6 = tpu.memref_slice %arg14[%dma_start3A, %dma_start3A_5] : memref<64x64xi32, #tpu.memory_space<vmem>> -> memref<1x64xi32, #tpu.memory_space<vmem>>
    %dma_start3A_7 = tpu.memref_squeeze %dma_start3A_6 : memref<1x64xi32, #tpu.memory_space<vmem>> -> memref<64xi32, #tpu.memory_space<vmem>>
    %dma_start3A_8 = arith.constant 0 : i32
    %dma_start3A_9 = arith.constant 0 : i32
    %dma_start3A_10 = tpu.memref_slice %arg2[%dma_start3A_8, %dma_start3A_9] : memref<100000x128xi32, #tpu.memory_space<hbm>> -> memref<100000x128xi32, #tpu.memory_space<hbm>>
    tpu.enqueue_indirect_dma source(%dma_start3A_10 : memref<100000x128xi32, #tpu.memory_space<hbm>>) target(%arg15 : memref<64x128xi32, #tpu.memory_space<vmem>>) offsets(%dma_start3A_7 : memref<64xi32, #tpu.memory_space<vmem>>) semaphore(%arg21 : memref<!tpu.dma_semaphore, #tpu.memory_space<semaphore_mem>>)
    %dma_start3A_11 = arith.constant 1 : i32
    %dma_start3A_12 = arith.constant 0 : i32
    %dma_start3A_13 = tpu.memref_slice %arg14[%dma_start3A_11, %dma_start3A_12] : memref<64x64xi32, #tpu.memory_space<vmem>> -> memref<1x64xi32, #tpu.memory_space<vmem>>
    %dma_start3A_14 = tpu.memref_squeeze %dma_start3A_13 : memref<1x64xi32, #tpu.memory_space<vmem>> -> memref<64xi32, #tpu.memory_space<vmem>>
    %dma_start3A_15 = arith.constant 0 : i32
    %dma_start3A_16 = arith.constant 0 : i32
    %dma_start3A_17 = tpu.memref_slice %arg2[%dma_start3A_15, %dma_start3A_16] : memref<100000x128xi32, #tpu.memory_space<hbm>> -> memref<100000x128xi32, #tpu.memory_space<hbm>>
    tpu.enqueue_indirect_dma source(%dma_start3A_17 : memref<100000x128xi32, #tpu.memory_space<hbm>>) target(%arg16 : memref<64x128xi32, #tpu.memory_space<vmem>>) offsets(%dma_start3A_14 : memref<64xi32, #tpu.memory_space<vmem>>) semaphore(%arg22 : memref<!tpu.dma_semaphore, #tpu.memory_space<semaphore_mem>>)
    %scan3A = arith.constant 0 : i32
    %scan3A_18 = arith.constant 0 : i32
    %scan3A_19 = arith.constant 32 : i32
    %scan3A_20 = arith.addi %scan3A_18, %scan3A_19 : i32
    %scan3A_21 = arith.constant 1 : i32
    scf.for %scan3A_335 = %scan3A_18 to %scan3A_20 step %scan3A_21  : i32 {
      %mul3A_336 = arith.constant 2 : i32
      %mul3A_337 = arith.muli %mul3A_336, %scan3A_335 : i32
      %add3A_338 = arith.constant 0 : i32
      %add3A_339 = arith.addi %mul3A_337, %add3A_338 : i32
      %add3A_340 = arith.addi %add3A_4, %add3A_339 : i32
      %mul3A_341 = arith.constant 64 : i32
      %mul3A_342 = arith.muli %add3A_340, %mul3A_341 : i32
      %dma_wait3A_343 = arith.constant 0 : i32
      %dma_wait3A_344 = tpu.memref_slice %arg14[%add3A_339, %dma_wait3A_343] : memref<64x64xi32, #tpu.memory_space<vmem>> -> memref<1x64xi32, #tpu.memory_space<vmem>>
      %dma_wait3A_345 = tpu.memref_squeeze %dma_wait3A_344 : memref<1x64xi32, #tpu.memory_space<vmem>> -> memref<64xi32, #tpu.memory_space<vmem>>
      %dma_wait3A_346 = arith.constant 0 : i32
      %dma_wait3A_347 = arith.constant 0 : i32
      %dma_wait3A_348 = tpu.memref_slice %arg2[%dma_wait3A_346, %dma_wait3A_347] : memref<100000x128xi32, #tpu.memory_space<hbm>> -> memref<100000x128xi32, #tpu.memory_space<hbm>>
      tpu.wait_indirect_dma semaphore(%arg21 : memref<!tpu.dma_semaphore, #tpu.memory_space<semaphore_mem>>) src(%dma_wait3A_348 : memref<100000x128xi32, #tpu.memory_space<hbm>>) dst(%arg15 : memref<64x128xi32, #tpu.memory_space<vmem>>)
      %get3A_349 = arith.index_cast %add3A_339 : i32 to index
      %get3A_350 = arith.constant 0 : index
      %get3A_351 = tpu.vector_load %arg14[%get3A_349, %get3A_350] {strides = array<i32>} : memref<64x64xi32, #tpu.memory_space<vmem>>, vector<16xi32>,
      %gather3A_352 = tpu.vector_load_idx %arg13[%get3A_351] : memref<100000xf32, #tpu.memory_space<vmem>>[vector<16xi32>], vector<16xf32>,
      %swap3A_353 = arith.constant 0 : index
      %swap3A_354 = tpu.vector_load %arg17[%swap3A_353] {strides = array<i32>} : memref<64xf32, #tpu.memory_space<vmem>>, vector<16xf32>,
      tpu.vector_store %arg17[%swap3A_353], %gather3A_352 {strides = array<i32>} : memref<64xf32, #tpu.memory_space<vmem>>, vector<16xf32>,
      %get3A_355 = arith.index_cast %add3A_339 : i32 to index
      %get3A_356 = arith.constant 16 : index
      %get3A_357 = tpu.vector_load %arg14[%get3A_355, %get3A_356] {strides = array<i32>} : memref<64x64xi32, #tpu.memory_space<vmem>>, vector<16xi32>,
      %gather3A_358 = tpu.vector_load_idx %arg13[%get3A_357] : memref<100000xf32, #tpu.memory_space<vmem>>[vector<16xi32>], vector<16xf32>,
      %swap3A_359 = arith.constant 16 : index
      %swap3A_360 = tpu.vector_load %arg17[%swap3A_359] {strides = array<i32>} : memref<64xf32, #tpu.memory_space<vmem>>, vector<16xf32>,
      tpu.vector_store %arg17[%swap3A_359], %gather3A_358 {strides = array<i32>} : memref<64xf32, #tpu.memory_space<vmem>>, vector<16xf32>,
      %get3A_361 = arith.index_cast %add3A_339 : i32 to index
      %get3A_362 = arith.constant 32 : index
      %get3A_363 = tpu.vector_load %arg14[%get3A_361, %get3A_362] {strides = array<i32>} : memref<64x64xi32, #tpu.memory_space<vmem>>, vector<16xi32>,
      %gather3A_364 = tpu.vector_load_idx %arg13[%get3A_363] : memref<100000xf32, #tpu.memory_space<vmem>>[vector<16xi32>], vector<16xf32>,
      %swap3A_365 = arith.constant 32 : index
      %swap3A_366 = tpu.vector_load %arg17[%swap3A_365] {strides = array<i32>} : memref<64xf32, #tpu.memory_space<vmem>>, vector<16xf32>,
      tpu.vector_store %arg17[%swap3A_365], %gather3A_364 {strides = array<i32>} : memref<64xf32, #tpu.memory_space<vmem>>, vector<16xf32>,
      %get3A_367 = arith.index_cast %add3A_339 : i32 to index
      %get3A_368 = arith.constant 48 : index
      %get3A_369 = tpu.vector_load %arg14[%get3A_367, %get3A_368] {strides = array<i32>} : memref<64x64xi32, #tpu.memory_space<vmem>>, vector<16xi32>,
      %gather3A_370 = tpu.vector_load_idx %arg13[%get3A_369] : memref<100000xf32, #tpu.memory_space<vmem>>[vector<16xi32>], vector<16xf32>,
      %swap3A_371 = arith.constant 48 : index
      %swap3A_372 = tpu.vector_load %arg17[%swap3A_371] {strides = array<i32>} : memref<64xf32, #tpu.memory_space<vmem>>, vector<16xf32>,
      tpu.vector_store %arg17[%swap3A_371], %gather3A_370 {strides = array<i32>} : memref<64xf32, #tpu.memory_space<vmem>>, vector<16xf32>,
      %dma_start3A_373 = arith.constant 0 : i32
      %dma_start3A_374 = tpu.memref_slice %arg8[%mul3A_342, %dma_start3A_373] : memref<262144x128xi32, #tpu.memory_space<hbm>> -> memref<64x128xi32, #tpu.memory_space<hbm>>
      %dma_start3A_375 = arith.constant 0 : i32
      %dma_start3A_376 = tpu.memref_slice %arg8[%mul3A_342, %dma_start3A_375] : memref<262144x128xi32, #tpu.memory_space<hbm>> -> memref<64x128xi32, #tpu.memory_space<hbm>>
      tpu.enqueue_dma source(%arg15 : memref<64x128xi32, #tpu.memory_space<vmem>>) target(%dma_start3A_376 : memref<64x128xi32, #tpu.memory_space<hbm>>) target_semaphore(%arg23 : memref<!tpu.dma_semaphore, #tpu.memory_space<semaphore_mem>>)
      %dma_start3A_377 = tpu.memref_slice %arg9[%mul3A_342] : memref<262144xf32, #tpu.memory_space<hbm>> -> memref<64xf32, #tpu.memory_space<hbm>>
      %dma_start3A_378 = tpu.memref_slice %arg9[%mul3A_342] : memref<262144xf32, #tpu.memory_space<hbm>> -> memref<64xf32, #tpu.memory_space<hbm>>
      tpu.enqueue_dma source(%arg17 : memref<64xf32, #tpu.memory_space<vmem>>) target(%dma_start3A_378 : memref<64xf32, #tpu.memory_space<hbm>>) target_semaphore(%arg23 : memref<!tpu.dma_semaphore, #tpu.memory_space<semaphore_mem>>)
      %add3A_379 = arith.constant 2 : i32
      %add3A_380 = arith.addi %add3A_339, %add3A_379 : i32
      %lt3A = arith.constant 64 : i32
      %lt3A_381 = arith.cmpi slt, %add3A_380, %lt3A : i32
      %convert_element_type3A = arith.extui %lt3A_381 : i1 to i32
      %cond3A = arith.constant 0 : i32
      %cond3A_382 = arith.cmpi ne, %convert_element_type3A, %cond3A : i32
      scf.if %cond3A_382 {
        %dma_wait3A_433 = arith.constant 0 : i32
        %dma_wait3A_434 = tpu.memref_slice %arg8[%mul3A_342, %dma_wait3A_433] : memref<262144x128xi32, #tpu.memory_space<hbm>> -> memref<64x128xi32, #tpu.memory_space<hbm>>
        %dma_wait3A_435 = arith.constant 0 : i32
        %dma_wait3A_436 = tpu.memref_slice %arg8[%mul3A_342, %dma_wait3A_435] : memref<262144x128xi32, #tpu.memory_space<hbm>> -> memref<64x128xi32, #tpu.memory_space<hbm>>
        tpu.wait_dma2 semaphore(%arg23 : memref<!tpu.dma_semaphore, #tpu.memory_space<semaphore_mem>>) src(%arg15 : memref<64x128xi32, #tpu.memory_space<vmem>>) dst(%dma_wait3A_436 : memref<64x128xi32, #tpu.memory_space<hbm>>)
        %dma_wait3A_437 = tpu.memref_slice %arg9[%mul3A_342] : memref<262144xf32, #tpu.memory_space<hbm>> -> memref<64xf32, #tpu.memory_space<hbm>>
        %dma_wait3A_438 = tpu.memref_slice %arg9[%mul3A_342] : memref<262144xf32, #tpu.memory_space<hbm>> -> memref<64xf32, #tpu.memory_space<hbm>>
        tpu.wait_dma2 semaphore(%arg23 : memref<!tpu.dma_semaphore, #tpu.memory_space<semaphore_mem>>) src(%arg17 : memref<64xf32, #tpu.memory_space<vmem>>) dst(%dma_wait3A_438 : memref<64xf32, #tpu.memory_space<hbm>>)
        %add3A_439 = arith.constant 2 : i32
        %add3A_440 = arith.addi %add3A_339, %add3A_439 : i32
        %dma_start3A_441 = arith.constant 0 : i32
        %dma_start3A_442 = tpu.memref_slice %arg14[%add3A_440, %dma_start3A_441] : memref<64x64xi32, #tpu.memory_space<vmem>> -> memref<1x64xi32, #tpu.memory_space<vmem>>
        %dma_start3A_443 = tpu.memref_squeeze %dma_start3A_442 : memref<1x64xi32, #tpu.memory_space<vmem>> -> memref<64xi32, #tpu.memory_space<vmem>>
        %dma_start3A_444 = arith.constant 0 : i32
        %dma_start3A_445 = arith.constant 0 : i32
        %dma_start3A_446 = tpu.memref_slice %arg2[%dma_start3A_444, %dma_start3A_445] : memref<100000x128xi32, #tpu.memory_space<hbm>> -> memref<100000x128xi32, #tpu.memory_space<hbm>>
        tpu.enqueue_indirect_dma source(%dma_start3A_446 : memref<100000x128xi32, #tpu.memory_space<hbm>>) target(%arg15 : memref<64x128xi32, #tpu.memory_space<vmem>>) offsets(%dma_start3A_443 : memref<64xi32, #tpu.memory_space<vmem>>) semaphore(%arg21 : memref<!tpu.dma_semaphore, #tpu.memory_space<semaphore_mem>>)
      } else {
      }
      %mul3A_383 = arith.constant 2 : i32
      %mul3A_384 = arith.muli %mul3A_383, %scan3A_335 : i32
      %add3A_385 = arith.constant 1 : i32
      %add3A_386 = arith.addi %mul3A_384, %add3A_385 : i32
      %add3A_387 = arith.addi %add3A_4, %add3A_386 : i32
      %mul3A_388 = arith.constant 64 : i32
      %mul3A_389 = arith.muli %add3A_387, %mul3A_388 : i32
      %dma_wait3A_390 = arith.constant 0 : i32
      %dma_wait3A_391 = tpu.memref_slice %arg14[%add3A_386, %dma_wait3A_390] : memref<64x64xi32, #tpu.memory_space<vmem>> -> memref<1x64xi32, #tpu.memory_space<vmem>>
      %dma_wait3A_392 = tpu.memref_squeeze %dma_wait3A_391 : memref<1x64xi32, #tpu.memory_space<vmem>> -> memref<64xi32, #tpu.memory_space<vmem>>
      %dma_wait3A_393 = arith.constant 0 : i32
      %dma_wait3A_394 = arith.constant 0 : i32
      %dma_wait3A_395 = tpu.memref_slice %arg2[%dma_wait3A_393, %dma_wait3A_394] : memref<100000x128xi32, #tpu.memory_space<hbm>> -> memref<100000x128xi32, #tpu.memory_space<hbm>>
      tpu.wait_indirect_dma semaphore(%arg22 : memref<!tpu.dma_semaphore, #tpu.memory_space<semaphore_mem>>) src(%dma_wait3A_395 : memref<100000x128xi32, #tpu.memory_space<hbm>>) dst(%arg16 : memref<64x128xi32, #tpu.memory_space<vmem>>)
      %get3A_396 = arith.index_cast %add3A_386 : i32 to index
      %get3A_397 = arith.constant 0 : index
      %get3A_398 = tpu.vector_load %arg14[%get3A_396, %get3A_397] {strides = array<i32>} : memref<64x64xi32, #tpu.memory_space<vmem>>, vector<16xi32>,
      %gather3A_399 = tpu.vector_load_idx %arg13[%get3A_398] : memref<100000xf32, #tpu.memory_space<vmem>>[vector<16xi32>], vector<16xf32>,
      %swap3A_400 = arith.constant 0 : index
      %swap3A_401 = tpu.vector_load %arg18[%swap3A_400] {strides = array<i32>} : memref<64xf32, #tpu.memory_space<vmem>>, vector<16xf32>,
      tpu.vector_store %arg18[%swap3A_400], %gather3A_399 {strides = array<i32>} : memref<64xf32, #tpu.memory_space<vmem>>, vector<16xf32>,
      %get3A_402 = arith.index_cast %add3A_386 : i32 to index
      %get3A_403 = arith.constant 16 : index
      %get3A_404 = tpu.vector_load %arg14[%get3A_402, %get3A_403] {strides = array<i32>} : memref<64x64xi32, #tpu.memory_space<vmem>>, vector<16xi32>,
      %gather3A_405 = tpu.vector_load_idx %arg13[%get3A_404] : memref<100000xf32, #tpu.memory_space<vmem>>[vector<16xi32>], vector<16xf32>,
      %swap3A_406 = arith.constant 16 : index
      %swap3A_407 = tpu.vector_load %arg18[%swap3A_406] {strides = array<i32>} : memref<64xf32, #tpu.memory_space<vmem>>, vector<16xf32>,
      tpu.vector_store %arg18[%swap3A_406], %gather3A_405 {strides = array<i32>} : memref<64xf32, #tpu.memory_space<vmem>>, vector<16xf32>,
      %get3A_408 = arith.index_cast %add3A_386 : i32 to index
      %get3A_409 = arith.constant 32 : index
      %get3A_410 = tpu.vector_load %arg14[%get3A_408, %get3A_409] {strides = array<i32>} : memref<64x64xi32, #tpu.memory_space<vmem>>, vector<16xi32>,
      %gather3A_411 = tpu.vector_load_idx %arg13[%get3A_410] : memref<100000xf32, #tpu.memory_space<vmem>>[vector<16xi32>], vector<16xf32>,
      %swap3A_412 = arith.constant 32 : index
      %swap3A_413 = tpu.vector_load %arg18[%swap3A_412] {strides = array<i32>} : memref<64xf32, #tpu.memory_space<vmem>>, vector<16xf32>,
      tpu.vector_store %arg18[%swap3A_412], %gather3A_411 {strides = array<i32>} : memref<64xf32, #tpu.memory_space<vmem>>, vector<16xf32>,
      %get3A_414 = arith.index_cast %add3A_386 : i32 to index
      %get3A_415 = arith.constant 48 : index
      %get3A_416 = tpu.vector_load %arg14[%get3A_414, %get3A_415] {strides = array<i32>} : memref<64x64xi32, #tpu.memory_space<vmem>>, vector<16xi32>,
      %gather3A_417 = tpu.vector_load_idx %arg13[%get3A_416] : memref<100000xf32, #tpu.memory_space<vmem>>[vector<16xi32>], vector<16xf32>,
      %swap3A_418 = arith.constant 48 : index
      %swap3A_419 = tpu.vector_load %arg18[%swap3A_418] {strides = array<i32>} : memref<64xf32, #tpu.memory_space<vmem>>, vector<16xf32>,
      tpu.vector_store %arg18[%swap3A_418], %gather3A_417 {strides = array<i32>} : memref<64xf32, #tpu.memory_space<vmem>>, vector<16xf32>,
      %dma_start3A_420 = arith.constant 0 : i32
      %dma_start3A_421 = tpu.memref_slice %arg8[%mul3A_389, %dma_start3A_420] : memref<262144x128xi32, #tpu.memory_space<hbm>> -> memref<64x128xi32, #tpu.memory_space<hbm>>
      %dma_start3A_422 = arith.constant 0 : i32
      %dma_start3A_423 = tpu.memref_slice %arg8[%mul3A_389, %dma_start3A_422] : memref<262144x128xi32, #tpu.memory_space<hbm>> -> memref<64x128xi32, #tpu.memory_space<hbm>>
      tpu.enqueue_dma source(%arg16 : memref<64x128xi32, #tpu.memory_space<vmem>>) target(%dma_start3A_423 : memref<64x128xi32, #tpu.memory_space<hbm>>) target_semaphore(%arg24 : memref<!tpu.dma_semaphore, #tpu.memory_space<semaphore_mem>>)
      %dma_start3A_424 = tpu.memref_slice %arg9[%mul3A_389] : memref<262144xf32, #tpu.memory_space<hbm>> -> memref<64xf32, #tpu.memory_space<hbm>>
      %dma_start3A_425 = tpu.memref_slice %arg9[%mul3A_389] : memref<262144xf32, #tpu.memory_space<hbm>> -> memref<64xf32, #tpu.memory_space<hbm>>
      tpu.enqueue_dma source(%arg18 : memref<64xf32, #tpu.memory_space<vmem>>) target(%dma_start3A_425 : memref<64xf32, #tpu.memory_space<hbm>>) target_semaphore(%arg24 : memref<!tpu.dma_semaphore, #tpu.memory_space<semaphore_mem>>)
      %add3A_426 = arith.constant 2 : i32
      %add3A_427 = arith.addi %add3A_386, %add3A_426 : i32
      %lt3A_428 = arith.constant 64 : i32
      %lt3A_429 = arith.cmpi slt, %add3A_427, %lt3A_428 : i32
      %convert_element_type3A_430 = arith.extui %lt3A_429 : i1 to i32
      %cond3A_431 = arith.constant 0 : i32
      %cond3A_432 = arith.cmpi ne, %convert_element_type3A_430, %cond3A_431 : i32
      scf.if %cond3A_432 {
        %dma_wait3A_433 = arith.constant 0 : i32
        %dma_wait3A_434 = tpu.memref_slice %arg8[%mul3A_389, %dma_wait3A_433] : memref<262144x128xi32, #tpu.memory_space<hbm>> -> memref<64x128xi32, #tpu.memory_space<hbm>>
        %dma_wait3A_435 = arith.constant 0 : i32
        %dma_wait3A_436 = tpu.memref_slice %arg8[%mul3A_389, %dma_wait3A_435] : memref<262144x128xi32, #tpu.memory_space<hbm>> -> memref<64x128xi32, #tpu.memory_space<hbm>>
        tpu.wait_dma2 semaphore(%arg24 : memref<!tpu.dma_semaphore, #tpu.memory_space<semaphore_mem>>) src(%arg16 : memref<64x128xi32, #tpu.memory_space<vmem>>) dst(%dma_wait3A_436 : memref<64x128xi32, #tpu.memory_space<hbm>>)
        %dma_wait3A_437 = tpu.memref_slice %arg9[%mul3A_389] : memref<262144xf32, #tpu.memory_space<hbm>> -> memref<64xf32, #tpu.memory_space<hbm>>
        %dma_wait3A_438 = tpu.memref_slice %arg9[%mul3A_389] : memref<262144xf32, #tpu.memory_space<hbm>> -> memref<64xf32, #tpu.memory_space<hbm>>
        tpu.wait_dma2 semaphore(%arg24 : memref<!tpu.dma_semaphore, #tpu.memory_space<semaphore_mem>>) src(%arg18 : memref<64xf32, #tpu.memory_space<vmem>>) dst(%dma_wait3A_438 : memref<64xf32, #tpu.memory_space<hbm>>)
        %add3A_439 = arith.constant 2 : i32
        %add3A_440 = arith.addi %add3A_386, %add3A_439 : i32
        %dma_start3A_441 = arith.constant 0 : i32
        %dma_start3A_442 = tpu.memref_slice %arg14[%add3A_440, %dma_start3A_441] : memref<64x64xi32, #tpu.memory_space<vmem>> -> memref<1x64xi32, #tpu.memory_space<vmem>>
        %dma_start3A_443 = tpu.memref_squeeze %dma_start3A_442 : memref<1x64xi32, #tpu.memory_space<vmem>> -> memref<64xi32, #tpu.memory_space<vmem>>
        %dma_start3A_444 = arith.constant 0 : i32
        %dma_start3A_445 = arith.constant 0 : i32
        %dma_start3A_446 = tpu.memref_slice %arg2[%dma_start3A_444, %dma_start3A_445] : memref<100000x128xi32, #tpu.memory_space<hbm>> -> memref<100000x128xi32, #tpu.memory_space<hbm>>
        tpu.enqueue_indirect_dma source(%dma_start3A_446 : memref<100000x128xi32, #tpu.memory_space<hbm>>) target(%arg16 : memref<64x128xi32, #tpu.memory_space<vmem>>) offsets(%dma_start3A_443 : memref<64xi32, #tpu.memory_space<vmem>>) semaphore(%arg22 : memref<!tpu.dma_semaphore, #tpu.memory_space<semaphore_mem>>)
      } else {
      }
    }
    %scan3A_22 = arith.constant 32 : i32
    %dma_wait3A = arith.constant 0 : i32
    %dma_wait3A_23 = arith.constant 0 : i32
    %dma_wait3A_24 = tpu.memref_slice %arg8[%dma_wait3A, %dma_wait3A_23] : memref<262144x128xi32, #tpu.memory_space<hbm>> -> memref<64x128xi32, #tpu.memory_space<hbm>>
    %dma_wait3A_25 = arith.constant 0 : i32
    %dma_wait3A_26 = arith.constant 0 : i32
    %dma_wait3A_27 = tpu.memref_slice %arg8[%dma_wait3A_25, %dma_wait3A_26] : memref<262144x128xi32, #tpu.memory_space<hbm>> -> memref<64x128xi32, #tpu.memory_space<hbm>>
    tpu.wait_dma2 semaphore(%arg23 : memref<!tpu.dma_semaphore, #tpu.memory_space<semaphore_mem>>) src(%arg15 : memref<64x128xi32, #tpu.memory_space<vmem>>) dst(%dma_wait3A_27 : memref<64x128xi32, #tpu.memory_space<hbm>>)
    %dma_wait3A_28 = arith.constant 0 : i32
    %dma_wait3A_29 = tpu.memref_slice %arg9[%dma_wait3A_28] : memref<262144xf32, #tpu.memory_space<hbm>> -> memref<64xf32, #tpu.memory_space<hbm>>
    %dma_wait3A_30 = arith.constant 0 : i32
    %dma_wait3A_31 = tpu.memref_slice %arg9[%dma_wait3A_30] : memref<262144xf32, #tpu.memory_space<hbm>> -> memref<64xf32, #tpu.memory_space<hbm>>
    tpu.wait_dma2 semaphore(%arg23 : memref<!tpu.dma_semaphore, #tpu.memory_space<semaphore_mem>>) src(%arg17 : memref<64xf32, #tpu.memory_space<vmem>>) dst(%dma_wait3A_31 : memref<64xf32, #tpu.memory_space<hbm>>)
    %dma_wait3A_32 = arith.constant 0 : i32
    %dma_wait3A_33 = arith.constant 0 : i32
    %dma_wait3A_34 = tpu.memref_slice %arg8[%dma_wait3A_32, %dma_wait3A_33] : memref<262144x128xi32, #tpu.memory_space<hbm>> -> memref<64x128xi32, #tpu.memory_space<hbm>>
    %dma_wait3A_35 = arith.constant 0 : i32
    %dma_wait3A_36 = arith.constant 0 : i32
    %dma_wait3A_37 = tpu.memref_slice %arg8[%dma_wait3A_35, %dma_wait3A_36] : memref<262144x128xi32, #tpu.memory_space<hbm>> -> memref<64x128xi32, #tpu.memory_space<hbm>>
    tpu.wait_dma2 semaphore(%arg24 : memref<!tpu.dma_semaphore, #tpu.memory_space<semaphore_mem>>) src(%arg16 : memref<64x128xi32, #tpu.memory_space<vmem>>) dst(%dma_wait3A_37 : memref<64x128xi32, #tpu.memory_space<hbm>>)
    %dma_wait3A_38 = arith.constant 0 : i32
    %dma_wait3A_39 = tpu.memref_slice %arg9[%dma_wait3A_38] : memref<262144xf32, #tpu.memory_space<hbm>> -> memref<64xf32, #tpu.memory_space<hbm>>
    %dma_wait3A_40 = arith.constant 0 : i32
    %dma_wait3A_41 = tpu.memref_slice %arg9[%dma_wait3A_40] : memref<262144xf32, #tpu.memory_space<hbm>> -> memref<64xf32, #tpu.memory_space<hbm>>
    tpu.wait_dma2 semaphore(%arg24 : memref<!tpu.dma_semaphore, #tpu.memory_space<semaphore_mem>>) src(%arg18 : memref<64xf32, #tpu.memory_space<vmem>>) dst(%dma_wait3A_41 : memref<64xf32, #tpu.memory_space<hbm>>)
    %add3A_42 = arith.constant 64 : i32
    %add3A_43 = arith.addi %mul3A_2, %add3A_42 : i32
    "tpu.region"() ({
      %run_scoped3A = tpu.sem_alloc : memref<!tpu.dma_semaphore, #tpu.memory_space<semaphore_mem>>
      %dma_start3A_335 = arith.constant 0 : i32
      %dma_start3A_336 = tpu.memref_slice %arg7[%add3A_43, %dma_start3A_335] : memref<4096x64xi32, #tpu.memory_space<hbm>> -> memref<64x64xi32, #tpu.memory_space<hbm>>
      %dma_start3A_337 = arith.constant 0 : i32
      %dma_start3A_338 = tpu.memref_slice %arg7[%add3A_43, %dma_start3A_337] : memref<4096x64xi32, #tpu.memory_space<hbm>> -> memref<64x64xi32, #tpu.memory_space<hbm>>
      tpu.enqueue_dma source(%dma_start3A_338 : memref<64x64xi32, #tpu.memory_space<hbm>>) target(%arg14 : memref<64x64xi32, #tpu.memory_space<vmem>>) target_semaphore(%run_scoped3A : memref<!tpu.dma_semaphore, #tpu.memory_space<semaphore_mem>>)
      %dma_wait3A_339 = arith.constant 0 : i32
      %dma_wait3A_340 = tpu.memref_slice %arg7[%add3A_43, %dma_wait3A_339] : memref<4096x64xi32, #tpu.memory_space<hbm>> -> memref<64x64xi32, #tpu.memory_space<hbm>>
      %dma_wait3A_341 = arith.constant 0 : i32
      %dma_wait3A_342 = tpu.memref_slice %arg7[%add3A_43, %dma_wait3A_341] : memref<4096x64xi32, #tpu.memory_space<hbm>> -> memref<64x64xi32, #tpu.memory_space<hbm>>
      tpu.wait_dma2 semaphore(%run_scoped3A : memref<!tpu.dma_semaphore, #tpu.memory_space<semaphore_mem>>) src(%dma_wait3A_342 : memref<64x64xi32, #tpu.memory_space<hbm>>) dst(%arg14 : memref<64x64xi32, #tpu.memory_space<vmem>>)
      tpu.yield
    }) : () -> ()
    %dma_start3A_44 = arith.constant 0 : i32
    %dma_start3A_45 = arith.constant 0 : i32
    %dma_start3A_46 = tpu.memref_slice %arg14[%dma_start3A_44, %dma_start3A_45] : memref<64x64xi32, #tpu.memory_space<vmem>> -> memref<1x64xi32, #tpu.memory_space<vmem>>
    %dma_start3A_47 = tpu.memref_squeeze %dma_start3A_46 : memref<1x64xi32, #tpu.memory_space<vmem>> -> memref<64xi32, #tpu.memory_space<vmem>>
    %dma_start3A_48 = arith.constant 0 : i32
    %dma_start3A_49 = arith.constant 0 : i32
    %dma_start3A_50 = tpu.memref_slice %arg2[%dma_start3A_48, %dma_start3A_49] : memref<100000x128xi32, #tpu.memory_space<hbm>> -> memref<100000x128xi32, #tpu.memory_space<hbm>>
    tpu.enqueue_indirect_dma source(%dma_start3A_50 : memref<100000x128xi32, #tpu.memory_space<hbm>>) target(%arg15 : memref<64x128xi32, #tpu.memory_space<vmem>>) offsets(%dma_start3A_47 : memref<64xi32, #tpu.memory_space<vmem>>) semaphore(%arg21 : memref<!tpu.dma_semaphore, #tpu.memory_space<semaphore_mem>>)
    %dma_start3A_51 = arith.constant 1 : i32
    %dma_start3A_52 = arith.constant 0 : i32
    %dma_start3A_53 = tpu.memref_slice %arg14[%dma_start3A_51, %dma_start3A_52] : memref<64x64xi32, #tpu.memory_space<vmem>> -> memref<1x64xi32, #tpu.memory_space<vmem>>
    %dma_start3A_54 = tpu.memref_squeeze %dma_start3A_53 : memref<1x64xi32, #tpu.memory_space<vmem>> -> memref<64xi32, #tpu.memory_space<vmem>>
    %dma_start3A_55 = arith.constant 0 : i32
    %dma_start3A_56 = arith.constant 0 : i32
    %dma_start3A_57 = tpu.memref_slice %arg2[%dma_start3A_55, %dma_start3A_56] : memref<100000x128xi32, #tpu.memory_space<hbm>> -> memref<100000x128xi32, #tpu.memory_space<hbm>>
    tpu.enqueue_indirect_dma source(%dma_start3A_57 : memref<100000x128xi32, #tpu.memory_space<hbm>>) target(%arg16 : memref<64x128xi32, #tpu.memory_space<vmem>>) offsets(%dma_start3A_54 : memref<64xi32, #tpu.memory_space<vmem>>) semaphore(%arg22 : memref<!tpu.dma_semaphore, #tpu.memory_space<semaphore_mem>>)
    %scan3A_58 = arith.constant 0 : i32
    %scan3A_59 = arith.constant 0 : i32
    %scan3A_60 = arith.constant 32 : i32
    %scan3A_61 = arith.addi %scan3A_59, %scan3A_60 : i32
    %scan3A_62 = arith.constant 1 : i32
    scf.for %scan3A_335 = %scan3A_59 to %scan3A_61 step %scan3A_62  : i32 {
      %mul3A_336 = arith.constant 2 : i32
      %mul3A_337 = arith.muli %mul3A_336, %scan3A_335 : i32
      %add3A_338 = arith.constant 0 : i32
      %add3A_339 = arith.addi %mul3A_337, %add3A_338 : i32
      %add3A_340 = arith.addi %add3A_43, %add3A_339 : i32
      %mul3A_341 = arith.constant 64 : i32
      %mul3A_342 = arith.muli %add3A_340, %mul3A_341 : i32
      %dma_wait3A_343 = arith.constant 0 : i32
      %dma_wait3A_344 = tpu.memref_slice %arg14[%add3A_339, %dma_wait3A_343] : memref<64x64xi32, #tpu.memory_space<vmem>> -> memref<1x64xi32, #tpu.memory_space<vmem>>
      %dma_wait3A_345 = tpu.memref_squeeze %dma_wait3A_344 : memref<1x64xi32, #tpu.memory_space<vmem>> -> memref<64xi32, #tpu.memory_space<vmem>>
      %dma_wait3A_346 = arith.constant 0 : i32
      %dma_wait3A_347 = arith.constant 0 : i32
      %dma_wait3A_348 = tpu.memref_slice %arg2[%dma_wait3A_346, %dma_wait3A_347] : memref<100000x128xi32, #tpu.memory_space<hbm>> -> memref<100000x128xi32, #tpu.memory_space<hbm>>
      tpu.wait_indirect_dma semaphore(%arg21 : memref<!tpu.dma_semaphore, #tpu.memory_space<semaphore_mem>>) src(%dma_wait3A_348 : memref<100000x128xi32, #tpu.memory_space<hbm>>) dst(%arg15 : memref<64x128xi32, #tpu.memory_space<vmem>>)
      %get3A_349 = arith.index_cast %add3A_339 : i32 to index
      %get3A_350 = arith.constant 0 : index
      %get3A_351 = tpu.vector_load %arg14[%get3A_349, %get3A_350] {strides = array<i32>} : memref<64x64xi32, #tpu.memory_space<vmem>>, vector<16xi32>,
      %gather3A_352 = tpu.vector_load_idx %arg13[%get3A_351] : memref<100000xf32, #tpu.memory_space<vmem>>[vector<16xi32>], vector<16xf32>,
      %swap3A_353 = arith.constant 0 : index
      %swap3A_354 = tpu.vector_load %arg17[%swap3A_353] {strides = array<i32>} : memref<64xf32, #tpu.memory_space<vmem>>, vector<16xf32>,
      tpu.vector_store %arg17[%swap3A_353], %gather3A_352 {strides = array<i32>} : memref<64xf32, #tpu.memory_space<vmem>>, vector<16xf32>,
      %get3A_355 = arith.index_cast %add3A_339 : i32 to index
      %get3A_356 = arith.constant 16 : index
      %get3A_357 = tpu.vector_load %arg14[%get3A_355, %get3A_356] {strides = array<i32>} : memref<64x64xi32, #tpu.memory_space<vmem>>, vector<16xi32>,
      %gather3A_358 = tpu.vector_load_idx %arg13[%get3A_357] : memref<100000xf32, #tpu.memory_space<vmem>>[vector<16xi32>], vector<16xf32>,
      %swap3A_359 = arith.constant 16 : index
      %swap3A_360 = tpu.vector_load %arg17[%swap3A_359] {strides = array<i32>} : memref<64xf32, #tpu.memory_space<vmem>>, vector<16xf32>,
      tpu.vector_store %arg17[%swap3A_359], %gather3A_358 {strides = array<i32>} : memref<64xf32, #tpu.memory_space<vmem>>, vector<16xf32>,
      %get3A_361 = arith.index_cast %add3A_339 : i32 to index
      %get3A_362 = arith.constant 32 : index
      %get3A_363 = tpu.vector_load %arg14[%get3A_361, %get3A_362] {strides = array<i32>} : memref<64x64xi32, #tpu.memory_space<vmem>>, vector<16xi32>,
      %gather3A_364 = tpu.vector_load_idx %arg13[%get3A_363] : memref<100000xf32, #tpu.memory_space<vmem>>[vector<16xi32>], vector<16xf32>,
      %swap3A_365 = arith.constant 32 : index
      %swap3A_366 = tpu.vector_load %arg17[%swap3A_365] {strides = array<i32>} : memref<64xf32, #tpu.memory_space<vmem>>, vector<16xf32>,
      tpu.vector_store %arg17[%swap3A_365], %gather3A_364 {strides = array<i32>} : memref<64xf32, #tpu.memory_space<vmem>>, vector<16xf32>,
      %get3A_367 = arith.index_cast %add3A_339 : i32 to index
      %get3A_368 = arith.constant 48 : index
      %get3A_369 = tpu.vector_load %arg14[%get3A_367, %get3A_368] {strides = array<i32>} : memref<64x64xi32, #tpu.memory_space<vmem>>, vector<16xi32>,
      %gather3A_370 = tpu.vector_load_idx %arg13[%get3A_369] : memref<100000xf32, #tpu.memory_space<vmem>>[vector<16xi32>], vector<16xf32>,
      %swap3A_371 = arith.constant 48 : index
      %swap3A_372 = tpu.vector_load %arg17[%swap3A_371] {strides = array<i32>} : memref<64xf32, #tpu.memory_space<vmem>>, vector<16xf32>,
      tpu.vector_store %arg17[%swap3A_371], %gather3A_370 {strides = array<i32>} : memref<64xf32, #tpu.memory_space<vmem>>, vector<16xf32>,
      %dma_start3A_373 = arith.constant 0 : i32
      %dma_start3A_374 = tpu.memref_slice %arg8[%mul3A_342, %dma_start3A_373] : memref<262144x128xi32, #tpu.memory_space<hbm>> -> memref<64x128xi32, #tpu.memory_space<hbm>>
      %dma_start3A_375 = arith.constant 0 : i32
      %dma_start3A_376 = tpu.memref_slice %arg8[%mul3A_342, %dma_start3A_375] : memref<262144x128xi32, #tpu.memory_space<hbm>> -> memref<64x128xi32, #tpu.memory_space<hbm>>
      tpu.enqueue_dma source(%arg15 : memref<64x128xi32, #tpu.memory_space<vmem>>) target(%dma_start3A_376 : memref<64x128xi32, #tpu.memory_space<hbm>>) target_semaphore(%arg23 : memref<!tpu.dma_semaphore, #tpu.memory_space<semaphore_mem>>)
      %dma_start3A_377 = tpu.memref_slice %arg9[%mul3A_342] : memref<262144xf32, #tpu.memory_space<hbm>> -> memref<64xf32, #tpu.memory_space<hbm>>
      %dma_start3A_378 = tpu.memref_slice %arg9[%mul3A_342] : memref<262144xf32, #tpu.memory_space<hbm>> -> memref<64xf32, #tpu.memory_space<hbm>>
      tpu.enqueue_dma source(%arg17 : memref<64xf32, #tpu.memory_space<vmem>>) target(%dma_start3A_378 : memref<64xf32, #tpu.memory_space<hbm>>) target_semaphore(%arg23 : memref<!tpu.dma_semaphore, #tpu.memory_space<semaphore_mem>>)
      %add3A_379 = arith.constant 2 : i32
      %add3A_380 = arith.addi %add3A_339, %add3A_379 : i32
      %lt3A = arith.constant 64 : i32
      %lt3A_381 = arith.cmpi slt, %add3A_380, %lt3A : i32
      %convert_element_type3A = arith.extui %lt3A_381 : i1 to i32
      %cond3A = arith.constant 0 : i32
      %cond3A_382 = arith.cmpi ne, %convert_element_type3A, %cond3A : i32
      scf.if %cond3A_382 {
        %dma_wait3A_433 = arith.constant 0 : i32
        %dma_wait3A_434 = tpu.memref_slice %arg8[%mul3A_342, %dma_wait3A_433] : memref<262144x128xi32, #tpu.memory_space<hbm>> -> memref<64x128xi32, #tpu.memory_space<hbm>>
        %dma_wait3A_435 = arith.constant 0 : i32
        %dma_wait3A_436 = tpu.memref_slice %arg8[%mul3A_342, %dma_wait3A_435] : memref<262144x128xi32, #tpu.memory_space<hbm>> -> memref<64x128xi32, #tpu.memory_space<hbm>>
        tpu.wait_dma2 semaphore(%arg23 : memref<!tpu.dma_semaphore, #tpu.memory_space<semaphore_mem>>) src(%arg15 : memref<64x128xi32, #tpu.memory_space<vmem>>) dst(%dma_wait3A_436 : memref<64x128xi32, #tpu.memory_space<hbm>>)
        %dma_wait3A_437 = tpu.memref_slice %arg9[%mul3A_342] : memref<262144xf32, #tpu.memory_space<hbm>> -> memref<64xf32, #tpu.memory_space<hbm>>
        %dma_wait3A_438 = tpu.memref_slice %arg9[%mul3A_342] : memref<262144xf32, #tpu.memory_space<hbm>> -> memref<64xf32, #tpu.memory_space<hbm>>
        tpu.wait_dma2 semaphore(%arg23 : memref<!tpu.dma_semaphore, #tpu.memory_space<semaphore_mem>>) src(%arg17 : memref<64xf32, #tpu.memory_space<vmem>>) dst(%dma_wait3A_438 : memref<64xf32, #tpu.memory_space<hbm>>)
        %add3A_439 = arith.constant 2 : i32
        %add3A_440 = arith.addi %add3A_339, %add3A_439 : i32
        %dma_start3A_441 = arith.constant 0 : i32
        %dma_start3A_442 = tpu.memref_slice %arg14[%add3A_440, %dma_start3A_441] : memref<64x64xi32, #tpu.memory_space<vmem>> -> memref<1x64xi32, #tpu.memory_space<vmem>>
        %dma_start3A_443 = tpu.memref_squeeze %dma_start3A_442 : memref<1x64xi32, #tpu.memory_space<vmem>> -> memref<64xi32, #tpu.memory_space<vmem>>
        %dma_start3A_444 = arith.constant 0 : i32
        %dma_start3A_445 = arith.constant 0 : i32
        %dma_start3A_446 = tpu.memref_slice %arg2[%dma_start3A_444, %dma_start3A_445] : memref<100000x128xi32, #tpu.memory_space<hbm>> -> memref<100000x128xi32, #tpu.memory_space<hbm>>
        tpu.enqueue_indirect_dma source(%dma_start3A_446 : memref<100000x128xi32, #tpu.memory_space<hbm>>) target(%arg15 : memref<64x128xi32, #tpu.memory_space<vmem>>) offsets(%dma_start3A_443 : memref<64xi32, #tpu.memory_space<vmem>>) semaphore(%arg21 : memref<!tpu.dma_semaphore, #tpu.memory_space<semaphore_mem>>)
      } else {
      }
      %mul3A_383 = arith.constant 2 : i32
      %mul3A_384 = arith.muli %mul3A_383, %scan3A_335 : i32
      %add3A_385 = arith.constant 1 : i32
      %add3A_386 = arith.addi %mul3A_384, %add3A_385 : i32
      %add3A_387 = arith.addi %add3A_43, %add3A_386 : i32
      %mul3A_388 = arith.constant 64 : i32
      %mul3A_389 = arith.muli %add3A_387, %mul3A_388 : i32
      %dma_wait3A_390 = arith.constant 0 : i32
      %dma_wait3A_391 = tpu.memref_slice %arg14[%add3A_386, %dma_wait3A_390] : memref<64x64xi32, #tpu.memory_space<vmem>> -> memref<1x64xi32, #tpu.memory_space<vmem>>
      %dma_wait3A_392 = tpu.memref_squeeze %dma_wait3A_391 : memref<1x64xi32, #tpu.memory_space<vmem>> -> memref<64xi32, #tpu.memory_space<vmem>>
      %dma_wait3A_393 = arith.constant 0 : i32
      %dma_wait3A_394 = arith.constant 0 : i32
      %dma_wait3A_395 = tpu.memref_slice %arg2[%dma_wait3A_393, %dma_wait3A_394] : memref<100000x128xi32, #tpu.memory_space<hbm>> -> memref<100000x128xi32, #tpu.memory_space<hbm>>
      tpu.wait_indirect_dma semaphore(%arg22 : memref<!tpu.dma_semaphore, #tpu.memory_space<semaphore_mem>>) src(%dma_wait3A_395 : memref<100000x128xi32, #tpu.memory_space<hbm>>) dst(%arg16 : memref<64x128xi32, #tpu.memory_space<vmem>>)
      %get3A_396 = arith.index_cast %add3A_386 : i32 to index
      %get3A_397 = arith.constant 0 : index
      %get3A_398 = tpu.vector_load %arg14[%get3A_396, %get3A_397] {strides = array<i32>} : memref<64x64xi32, #tpu.memory_space<vmem>>, vector<16xi32>,
      %gather3A_399 = tpu.vector_load_idx %arg13[%get3A_398] : memref<100000xf32, #tpu.memory_space<vmem>>[vector<16xi32>], vector<16xf32>,
      %swap3A_400 = arith.constant 0 : index
      %swap3A_401 = tpu.vector_load %arg18[%swap3A_400] {strides = array<i32>} : memref<64xf32, #tpu.memory_space<vmem>>, vector<16xf32>,
      tpu.vector_store %arg18[%swap3A_400], %gather3A_399 {strides = array<i32>} : memref<64xf32, #tpu.memory_space<vmem>>, vector<16xf32>,
      %get3A_402 = arith.index_cast %add3A_386 : i32 to index
      %get3A_403 = arith.constant 16 : index
      %get3A_404 = tpu.vector_load %arg14[%get3A_402, %get3A_403] {strides = array<i32>} : memref<64x64xi32, #tpu.memory_space<vmem>>, vector<16xi32>,
      %gather3A_405 = tpu.vector_load_idx %arg13[%get3A_404] : memref<100000xf32, #tpu.memory_space<vmem>>[vector<16xi32>], vector<16xf32>,
      %swap3A_406 = arith.constant 16 : index
      %swap3A_407 = tpu.vector_load %arg18[%swap3A_406] {strides = array<i32>} : memref<64xf32, #tpu.memory_space<vmem>>, vector<16xf32>,
      tpu.vector_store %arg18[%swap3A_406], %gather3A_405 {strides = array<i32>} : memref<64xf32, #tpu.memory_space<vmem>>, vector<16xf32>,
      %get3A_408 = arith.index_cast %add3A_386 : i32 to index
      %get3A_409 = arith.constant 32 : index
      %get3A_410 = tpu.vector_load %arg14[%get3A_408, %get3A_409] {strides = array<i32>} : memref<64x64xi32, #tpu.memory_space<vmem>>, vector<16xi32>,
      %gather3A_411 = tpu.vector_load_idx %arg13[%get3A_410] : memref<100000xf32, #tpu.memory_space<vmem>>[vector<16xi32>], vector<16xf32>,
      %swap3A_412 = arith.constant 32 : index
      %swap3A_413 = tpu.vector_load %arg18[%swap3A_412] {strides = array<i32>} : memref<64xf32, #tpu.memory_space<vmem>>, vector<16xf32>,
      tpu.vector_store %arg18[%swap3A_412], %gather3A_411 {strides = array<i32>} : memref<64xf32, #tpu.memory_space<vmem>>, vector<16xf32>,
      %get3A_414 = arith.index_cast %add3A_386 : i32 to index
      %get3A_415 = arith.constant 48 : index
      %get3A_416 = tpu.vector_load %arg14[%get3A_414, %get3A_415] {strides = array<i32>} : memref<64x64xi32, #tpu.memory_space<vmem>>, vector<16xi32>,
      %gather3A_417 = tpu.vector_load_idx %arg13[%get3A_416] : memref<100000xf32, #tpu.memory_space<vmem>>[vector<16xi32>], vector<16xf32>,
      %swap3A_418 = arith.constant 48 : index
      %swap3A_419 = tpu.vector_load %arg18[%swap3A_418] {strides = array<i32>} : memref<64xf32, #tpu.memory_space<vmem>>, vector<16xf32>,
      tpu.vector_store %arg18[%swap3A_418], %gather3A_417 {strides = array<i32>} : memref<64xf32, #tpu.memory_space<vmem>>, vector<16xf32>,
      %dma_start3A_420 = arith.constant 0 : i32
      %dma_start3A_421 = tpu.memref_slice %arg8[%mul3A_389, %dma_start3A_420] : memref<262144x128xi32, #tpu.memory_space<hbm>> -> memref<64x128xi32, #tpu.memory_space<hbm>>
      %dma_start3A_422 = arith.constant 0 : i32
      %dma_start3A_423 = tpu.memref_slice %arg8[%mul3A_389, %dma_start3A_422] : memref<262144x128xi32, #tpu.memory_space<hbm>> -> memref<64x128xi32, #tpu.memory_space<hbm>>
      tpu.enqueue_dma source(%arg16 : memref<64x128xi32, #tpu.memory_space<vmem>>) target(%dma_start3A_423 : memref<64x128xi32, #tpu.memory_space<hbm>>) target_semaphore(%arg24 : memref<!tpu.dma_semaphore, #tpu.memory_space<semaphore_mem>>)
      %dma_start3A_424 = tpu.memref_slice %arg9[%mul3A_389] : memref<262144xf32, #tpu.memory_space<hbm>> -> memref<64xf32, #tpu.memory_space<hbm>>
      %dma_start3A_425 = tpu.memref_slice %arg9[%mul3A_389] : memref<262144xf32, #tpu.memory_space<hbm>> -> memref<64xf32, #tpu.memory_space<hbm>>
      tpu.enqueue_dma source(%arg18 : memref<64xf32, #tpu.memory_space<vmem>>) target(%dma_start3A_425 : memref<64xf32, #tpu.memory_space<hbm>>) target_semaphore(%arg24 : memref<!tpu.dma_semaphore, #tpu.memory_space<semaphore_mem>>)
      %add3A_426 = arith.constant 2 : i32
      %add3A_427 = arith.addi %add3A_386, %add3A_426 : i32
      %lt3A_428 = arith.constant 64 : i32
      %lt3A_429 = arith.cmpi slt, %add3A_427, %lt3A_428 : i32
      %convert_element_type3A_430 = arith.extui %lt3A_429 : i1 to i32
      %cond3A_431 = arith.constant 0 : i32
      %cond3A_432 = arith.cmpi ne, %convert_element_type3A_430, %cond3A_431 : i32
      scf.if %cond3A_432 {
        %dma_wait3A_433 = arith.constant 0 : i32
        %dma_wait3A_434 = tpu.memref_slice %arg8[%mul3A_389, %dma_wait3A_433] : memref<262144x128xi32, #tpu.memory_space<hbm>> -> memref<64x128xi32, #tpu.memory_space<hbm>>
        %dma_wait3A_435 = arith.constant 0 : i32
        %dma_wait3A_436 = tpu.memref_slice %arg8[%mul3A_389, %dma_wait3A_435] : memref<262144x128xi32, #tpu.memory_space<hbm>> -> memref<64x128xi32, #tpu.memory_space<hbm>>
        tpu.wait_dma2 semaphore(%arg24 : memref<!tpu.dma_semaphore, #tpu.memory_space<semaphore_mem>>) src(%arg16 : memref<64x128xi32, #tpu.memory_space<vmem>>) dst(%dma_wait3A_436 : memref<64x128xi32, #tpu.memory_space<hbm>>)
        %dma_wait3A_437 = tpu.memref_slice %arg9[%mul3A_389] : memref<262144xf32, #tpu.memory_space<hbm>> -> memref<64xf32, #tpu.memory_space<hbm>>
        %dma_wait3A_438 = tpu.memref_slice %arg9[%mul3A_389] : memref<262144xf32, #tpu.memory_space<hbm>> -> memref<64xf32, #tpu.memory_space<hbm>>
        tpu.wait_dma2 semaphore(%arg24 : memref<!tpu.dma_semaphore, #tpu.memory_space<semaphore_mem>>) src(%arg18 : memref<64xf32, #tpu.memory_space<vmem>>) dst(%dma_wait3A_438 : memref<64xf32, #tpu.memory_space<hbm>>)
        %add3A_439 = arith.constant 2 : i32
        %add3A_440 = arith.addi %add3A_386, %add3A_439 : i32
        %dma_start3A_441 = arith.constant 0 : i32
        %dma_start3A_442 = tpu.memref_slice %arg14[%add3A_440, %dma_start3A_441] : memref<64x64xi32, #tpu.memory_space<vmem>> -> memref<1x64xi32, #tpu.memory_space<vmem>>
        %dma_start3A_443 = tpu.memref_squeeze %dma_start3A_442 : memref<1x64xi32, #tpu.memory_space<vmem>> -> memref<64xi32, #tpu.memory_space<vmem>>
        %dma_start3A_444 = arith.constant 0 : i32
        %dma_start3A_445 = arith.constant 0 : i32
        %dma_start3A_446 = tpu.memref_slice %arg2[%dma_start3A_444, %dma_start3A_445] : memref<100000x128xi32, #tpu.memory_space<hbm>> -> memref<100000x128xi32, #tpu.memory_space<hbm>>
        tpu.enqueue_indirect_dma source(%dma_start3A_446 : memref<100000x128xi32, #tpu.memory_space<hbm>>) target(%arg16 : memref<64x128xi32, #tpu.memory_space<vmem>>) offsets(%dma_start3A_443 : memref<64xi32, #tpu.memory_space<vmem>>) semaphore(%arg22 : memref<!tpu.dma_semaphore, #tpu.memory_space<semaphore_mem>>)
      } else {
      }
    }
    %scan3A_63 = arith.constant 32 : i32
    %dma_wait3A_64 = arith.constant 0 : i32
    %dma_wait3A_65 = arith.constant 0 : i32
    %dma_wait3A_66 = tpu.memref_slice %arg8[%dma_wait3A_64, %dma_wait3A_65] : memref<262144x128xi32, #tpu.memory_space<hbm>> -> memref<64x128xi32, #tpu.memory_space<hbm>>
    %dma_wait3A_67 = arith.constant 0 : i32
    %dma_wait3A_68 = arith.constant 0 : i32
    %dma_wait3A_69 = tpu.memref_slice %arg8[%dma_wait3A_67, %dma_wait3A_68] : memref<262144x128xi32, #tpu.memory_space<hbm>> -> memref<64x128xi32, #tpu.memory_space<hbm>>
    tpu.wait_dma2 semaphore(%arg23 : memref<!tpu.dma_semaphore, #tpu.memory_space<semaphore_mem>>) src(%arg15 : memref<64x128xi32, #tpu.memory_space<vmem>>) dst(%dma_wait3A_69 : memref<64x128xi32, #tpu.memory_space<hbm>>)
    %dma_wait3A_70 = arith.constant 0 : i32
    %dma_wait3A_71 = tpu.memref_slice %arg9[%dma_wait3A_70] : memref<262144xf32, #tpu.memory_space<hbm>> -> memref<64xf32, #tpu.memory_space<hbm>>
    %dma_wait3A_72 = arith.constant 0 : i32
    %dma_wait3A_73 = tpu.memref_slice %arg9[%dma_wait3A_72] : memref<262144xf32, #tpu.memory_space<hbm>> -> memref<64xf32, #tpu.memory_space<hbm>>
    tpu.wait_dma2 semaphore(%arg23 : memref<!tpu.dma_semaphore, #tpu.memory_space<semaphore_mem>>) src(%arg17 : memref<64xf32, #tpu.memory_space<vmem>>) dst(%dma_wait3A_73 : memref<64xf32, #tpu.memory_space<hbm>>)
    %dma_wait3A_74 = arith.constant 0 : i32
    %dma_wait3A_75 = arith.constant 0 : i32
    %dma_wait3A_76 = tpu.memref_slice %arg8[%dma_wait3A_74, %dma_wait3A_75] : memref<262144x128xi32, #tpu.memory_space<hbm>> -> memref<64x128xi32, #tpu.memory_space<hbm>>
    %dma_wait3A_77 = arith.constant 0 : i32
    %dma_wait3A_78 = arith.constant 0 : i32
    %dma_wait3A_79 = tpu.memref_slice %arg8[%dma_wait3A_77, %dma_wait3A_78] : memref<262144x128xi32, #tpu.memory_space<hbm>> -> memref<64x128xi32, #tpu.memory_space<hbm>>
    tpu.wait_dma2 semaphore(%arg24 : memref<!tpu.dma_semaphore, #tpu.memory_space<semaphore_mem>>) src(%arg16 : memref<64x128xi32, #tpu.memory_space<vmem>>) dst(%dma_wait3A_79 : memref<64x128xi32, #tpu.memory_space<hbm>>)
    %dma_wait3A_80 = arith.constant 0 : i32
    %dma_wait3A_81 = tpu.memref_slice %arg9[%dma_wait3A_80] : memref<262144xf32, #tpu.memory_space<hbm>> -> memref<64xf32, #tpu.memory_space<hbm>>
    %dma_wait3A_82 = arith.constant 0 : i32
    %dma_wait3A_83 = tpu.memref_slice %arg9[%dma_wait3A_82] : memref<262144xf32, #tpu.memory_space<hbm>> -> memref<64xf32, #tpu.memory_space<hbm>>
    tpu.wait_dma2 semaphore(%arg24 : memref<!tpu.dma_semaphore, #tpu.memory_space<semaphore_mem>>) src(%arg18 : memref<64xf32, #tpu.memory_space<vmem>>) dst(%dma_wait3A_83 : memref<64xf32, #tpu.memory_space<hbm>>)
    %mul3A_84 = arith.constant 128 : i32
    %mul3A_85 = arith.muli %add3A, %mul3A_84 : i32
    %add3A_86 = arith.constant 0 : i32
    %add3A_87 = arith.addi %mul3A_85, %add3A_86 : i32
    "tpu.region"() ({
      %run_scoped3A = tpu.sem_alloc : memref<!tpu.dma_semaphore, #tpu.memory_space<semaphore_mem>>
      %dma_start3A_335 = tpu.memref_slice %arg5[%add3A_87] : memref<4096xi32, #tpu.memory_space<hbm>> -> memref<64xi32, #tpu.memory_space<hbm>>
      %dma_start3A_336 = tpu.memref_slice %arg5[%add3A_87] : memref<4096xi32, #tpu.memory_space<hbm>> -> memref<64xi32, #tpu.memory_space<hbm>>
      tpu.enqueue_dma source(%dma_start3A_336 : memref<64xi32, #tpu.memory_space<hbm>>) target(%arg19 : memref<64xi32, #tpu.memory_space<vmem>>) target_semaphore(%run_scoped3A : memref<!tpu.dma_semaphore, #tpu.memory_space<semaphore_mem>>)
      %dma_wait3A_337 = tpu.memref_slice %arg5[%add3A_87] : memref<4096xi32, #tpu.memory_space<hbm>> -> memref<64xi32, #tpu.memory_space<hbm>>
      %dma_wait3A_338 = tpu.memref_slice %arg5[%add3A_87] : memref<4096xi32, #tpu.memory_space<hbm>> -> memref<64xi32, #tpu.memory_space<hbm>>
      tpu.wait_dma2 semaphore(%run_scoped3A : memref<!tpu.dma_semaphore, #tpu.memory_space<semaphore_mem>>) src(%dma_wait3A_338 : memref<64xi32, #tpu.memory_space<hbm>>) dst(%arg19 : memref<64xi32, #tpu.memory_space<vmem>>)
      tpu.yield
    }) : () -> ()
    %dma_start3A_88 = arith.constant 0 : i32
    %dma_start3A_89 = arith.constant 0 : i32
    %dma_start3A_90 = tpu.memref_slice %arg2[%dma_start3A_88, %dma_start3A_89] : memref<100000x128xi32, #tpu.memory_space<hbm>> -> memref<100000x128xi32, #tpu.memory_space<hbm>>
    tpu.enqueue_indirect_dma source(%dma_start3A_90 : memref<100000x128xi32, #tpu.memory_space<hbm>>) target(%arg15 : memref<64x128xi32, #tpu.memory_space<vmem>>) offsets(%arg19 : memref<64xi32, #tpu.memory_space<vmem>>) semaphore(%arg21 : memref<!tpu.dma_semaphore, #tpu.memory_space<semaphore_mem>>)
    %dma_wait3A_91 = arith.constant 0 : i32
    %dma_wait3A_92 = arith.constant 0 : i32
    %dma_wait3A_93 = tpu.memref_slice %arg2[%dma_wait3A_91, %dma_wait3A_92] : memref<100000x128xi32, #tpu.memory_space<hbm>> -> memref<100000x128xi32, #tpu.memory_space<hbm>>
    tpu.wait_indirect_dma semaphore(%arg21 : memref<!tpu.dma_semaphore, #tpu.memory_space<semaphore_mem>>) src(%dma_wait3A_93 : memref<100000x128xi32, #tpu.memory_space<hbm>>) dst(%arg15 : memref<64x128xi32, #tpu.memory_space<vmem>>)
    %get3A = arith.constant 0 : index
    %get3A_94 = tpu.vector_load %arg19[%get3A] {strides = array<i32>} : memref<64xi32, #tpu.memory_space<vmem>>, vector<16xi32>,
    %gather3A = tpu.vector_load_idx %arg13[%get3A_94] : memref<100000xf32, #tpu.memory_space<vmem>>[vector<16xi32>], vector<16xf32>,
    %swap3A = arith.constant 0 : index
    %swap3A_95 = tpu.vector_load %arg17[%swap3A] {strides = array<i32>} : memref<64xf32, #tpu.memory_space<vmem>>, vector<16xf32>,
    tpu.vector_store %arg17[%swap3A], %gather3A {strides = array<i32>} : memref<64xf32, #tpu.memory_space<vmem>>, vector<16xf32>,
    %get3A_96 = arith.constant 16 : index
    %get3A_97 = tpu.vector_load %arg19[%get3A_96] {strides = array<i32>} : memref<64xi32, #tpu.memory_space<vmem>>, vector<16xi32>,
    %gather3A_98 = tpu.vector_load_idx %arg13[%get3A_97] : memref<100000xf32, #tpu.memory_space<vmem>>[vector<16xi32>], vector<16xf32>,
    %swap3A_99 = arith.constant 16 : index
    %swap3A_100 = tpu.vector_load %arg17[%swap3A_99] {strides = array<i32>} : memref<64xf32, #tpu.memory_space<vmem>>, vector<16xf32>,
    tpu.vector_store %arg17[%swap3A_99], %gather3A_98 {strides = array<i32>} : memref<64xf32, #tpu.memory_space<vmem>>, vector<16xf32>,
    %get3A_101 = arith.constant 32 : index
    %get3A_102 = tpu.vector_load %arg19[%get3A_101] {strides = array<i32>} : memref<64xi32, #tpu.memory_space<vmem>>, vector<16xi32>,
    %gather3A_103 = tpu.vector_load_idx %arg13[%get3A_102] : memref<100000xf32, #tpu.memory_space<vmem>>[vector<16xi32>], vector<16xf32>,
    %swap3A_104 = arith.constant 32 : index
    %swap3A_105 = tpu.vector_load %arg17[%swap3A_104] {strides = array<i32>} : memref<64xf32, #tpu.memory_space<vmem>>, vector<16xf32>,
    tpu.vector_store %arg17[%swap3A_104], %gather3A_103 {strides = array<i32>} : memref<64xf32, #tpu.memory_space<vmem>>, vector<16xf32>,
    %get3A_106 = arith.constant 48 : index
    %get3A_107 = tpu.vector_load %arg19[%get3A_106] {strides = array<i32>} : memref<64xi32, #tpu.memory_space<vmem>>, vector<16xi32>,
    %gather3A_108 = tpu.vector_load_idx %arg13[%get3A_107] : memref<100000xf32, #tpu.memory_space<vmem>>[vector<16xi32>], vector<16xf32>,
    %swap3A_109 = arith.constant 48 : index
    %swap3A_110 = tpu.vector_load %arg17[%swap3A_109] {strides = array<i32>} : memref<64xf32, #tpu.memory_space<vmem>>, vector<16xf32>,
    tpu.vector_store %arg17[%swap3A_109], %gather3A_108 {strides = array<i32>} : memref<64xf32, #tpu.memory_space<vmem>>, vector<16xf32>,
    "tpu.region"() ({
      %run_scoped3A = tpu.sem_alloc : memref<!tpu.dma_semaphore, #tpu.memory_space<semaphore_mem>>
      %dma_start3A_335 = arith.constant 0 : i32
      %dma_start3A_336 = tpu.memref_slice %arg10[%add3A_87, %dma_start3A_335] : memref<4096x128xi32, #tpu.memory_space<hbm>> -> memref<64x128xi32, #tpu.memory_space<hbm>>
      %dma_start3A_337 = arith.constant 0 : i32
      %dma_start3A_338 = tpu.memref_slice %arg10[%add3A_87, %dma_start3A_337] : memref<4096x128xi32, #tpu.memory_space<hbm>> -> memref<64x128xi32, #tpu.memory_space<hbm>>
      tpu.enqueue_dma source(%arg15 : memref<64x128xi32, #tpu.memory_space<vmem>>) target(%dma_start3A_338 : memref<64x128xi32, #tpu.memory_space<hbm>>) target_semaphore(%run_scoped3A : memref<!tpu.dma_semaphore, #tpu.memory_space<semaphore_mem>>)
      %dma_wait3A_339 = arith.constant 0 : i32
      %dma_wait3A_340 = tpu.memref_slice %arg10[%add3A_87, %dma_wait3A_339] : memref<4096x128xi32, #tpu.memory_space<hbm>> -> memref<64x128xi32, #tpu.memory_space<hbm>>
      %dma_wait3A_341 = arith.constant 0 : i32
      %dma_wait3A_342 = tpu.memref_slice %arg10[%add3A_87, %dma_wait3A_341] : memref<4096x128xi32, #tpu.memory_space<hbm>> -> memref<64x128xi32, #tpu.memory_space<hbm>>
      tpu.wait_dma2 semaphore(%run_scoped3A : memref<!tpu.dma_semaphore, #tpu.memory_space<semaphore_mem>>) src(%arg15 : memref<64x128xi32, #tpu.memory_space<vmem>>) dst(%dma_wait3A_342 : memref<64x128xi32, #tpu.memory_space<hbm>>)
      tpu.yield
    }) : () -> ()
    "tpu.region"() ({
      %run_scoped3A = tpu.sem_alloc : memref<!tpu.dma_semaphore, #tpu.memory_space<semaphore_mem>>
      %dma_start3A_335 = tpu.memref_slice %arg11[%add3A_87] : memref<4096xf32, #tpu.memory_space<hbm>> -> memref<64xf32, #tpu.memory_space<hbm>>
      %dma_start3A_336 = tpu.memref_slice %arg11[%add3A_87] : memref<4096xf32, #tpu.memory_space<hbm>> -> memref<64xf32, #tpu.memory_space<hbm>>
      tpu.enqueue_dma source(%arg17 : memref<64xf32, #tpu.memory_space<vmem>>) target(%dma_start3A_336 : memref<64xf32, #tpu.memory_space<hbm>>) target_semaphore(%run_scoped3A : memref<!tpu.dma_semaphore, #tpu.memory_space<semaphore_mem>>)
      %dma_wait3A_337 = tpu.memref_slice %arg11[%add3A_87] : memref<4096xf32, #tpu.memory_space<hbm>> -> memref<64xf32, #tpu.memory_space<hbm>>
      %dma_wait3A_338 = tpu.memref_slice %arg11[%add3A_87] : memref<4096xf32, #tpu.memory_space<hbm>> -> memref<64xf32, #tpu.memory_space<hbm>>
      tpu.wait_dma2 semaphore(%run_scoped3A : memref<!tpu.dma_semaphore, #tpu.memory_space<semaphore_mem>>) src(%arg17 : memref<64xf32, #tpu.memory_space<vmem>>) dst(%dma_wait3A_338 : memref<64xf32, #tpu.memory_space<hbm>>)
      tpu.yield
    }) : () -> ()
    %add3A_111 = arith.constant 64 : i32
    %add3A_112 = arith.addi %mul3A_85, %add3A_111 : i32
    "tpu.region"() ({
      %run_scoped3A = tpu.sem_alloc : memref<!tpu.dma_semaphore, #tpu.memory_space<semaphore_mem>>
      %dma_start3A_335 = tpu.memref_slice %arg5[%add3A_112] : memref<4096xi32, #tpu.memory_space<hbm>> -> memref<64xi32, #tpu.memory_space<hbm>>
      %dma_start3A_336 = tpu.memref_slice %arg5[%add3A_112] : memref<4096xi32, #tpu.memory_space<hbm>> -> memref<64xi32, #tpu.memory_space<hbm>>
      tpu.enqueue_dma source(%dma_start3A_336 : memref<64xi32, #tpu.memory_space<hbm>>) target(%arg19 : memref<64xi32, #tpu.memory_space<vmem>>) target_semaphore(%run_scoped3A : memref<!tpu.dma_semaphore, #tpu.memory_space<semaphore_mem>>)
      %dma_wait3A_337 = tpu.memref_slice %arg5[%add3A_112] : memref<4096xi32, #tpu.memory_space<hbm>> -> memref<64xi32, #tpu.memory_space<hbm>>
      %dma_wait3A_338 = tpu.memref_slice %arg5[%add3A_112] : memref<4096xi32, #tpu.memory_space<hbm>> -> memref<64xi32, #tpu.memory_space<hbm>>
      tpu.wait_dma2 semaphore(%run_scoped3A : memref<!tpu.dma_semaphore, #tpu.memory_space<semaphore_mem>>) src(%dma_wait3A_338 : memref<64xi32, #tpu.memory_space<hbm>>) dst(%arg19 : memref<64xi32, #tpu.memory_space<vmem>>)
      tpu.yield
    }) : () -> ()
    %dma_start3A_113 = arith.constant 0 : i32
    %dma_start3A_114 = arith.constant 0 : i32
    %dma_start3A_115 = tpu.memref_slice %arg2[%dma_start3A_113, %dma_start3A_114] : memref<100000x128xi32, #tpu.memory_space<hbm>> -> memref<100000x128xi32, #tpu.memory_space<hbm>>
    tpu.enqueue_indirect_dma source(%dma_start3A_115 : memref<100000x128xi32, #tpu.memory_space<hbm>>) target(%arg15 : memref<64x128xi32, #tpu.memory_space<vmem>>) offsets(%arg19 : memref<64xi32, #tpu.memory_space<vmem>>) semaphore(%arg21 : memref<!tpu.dma_semaphore, #tpu.memory_space<semaphore_mem>>)
    %dma_wait3A_116 = arith.constant 0 : i32
    %dma_wait3A_117 = arith.constant 0 : i32
    %dma_wait3A_118 = tpu.memref_slice %arg2[%dma_wait3A_116, %dma_wait3A_117] : memref<100000x128xi32, #tpu.memory_space<hbm>> -> memref<100000x128xi32, #tpu.memory_space<hbm>>
    tpu.wait_indirect_dma semaphore(%arg21 : memref<!tpu.dma_semaphore, #tpu.memory_space<semaphore_mem>>) src(%dma_wait3A_118 : memref<100000x128xi32, #tpu.memory_space<hbm>>) dst(%arg15 : memref<64x128xi32, #tpu.memory_space<vmem>>)
    %get3A_119 = arith.constant 0 : index
    %get3A_120 = tpu.vector_load %arg19[%get3A_119] {strides = array<i32>} : memref<64xi32, #tpu.memory_space<vmem>>, vector<16xi32>,
    %gather3A_121 = tpu.vector_load_idx %arg13[%get3A_120] : memref<100000xf32, #tpu.memory_space<vmem>>[vector<16xi32>], vector<16xf32>,
    %swap3A_122 = arith.constant 0 : index
    %swap3A_123 = tpu.vector_load %arg17[%swap3A_122] {strides = array<i32>} : memref<64xf32, #tpu.memory_space<vmem>>, vector<16xf32>,
    tpu.vector_store %arg17[%swap3A_122], %gather3A_121 {strides = array<i32>} : memref<64xf32, #tpu.memory_space<vmem>>, vector<16xf32>,
    %get3A_124 = arith.constant 16 : index
    %get3A_125 = tpu.vector_load %arg19[%get3A_124] {strides = array<i32>} : memref<64xi32, #tpu.memory_space<vmem>>, vector<16xi32>,
    %gather3A_126 = tpu.vector_load_idx %arg13[%get3A_125] : memref<100000xf32, #tpu.memory_space<vmem>>[vector<16xi32>], vector<16xf32>,
    %swap3A_127 = arith.constant 16 : index
    %swap3A_128 = tpu.vector_load %arg17[%swap3A_127] {strides = array<i32>} : memref<64xf32, #tpu.memory_space<vmem>>, vector<16xf32>,
    tpu.vector_store %arg17[%swap3A_127], %gather3A_126 {strides = array<i32>} : memref<64xf32, #tpu.memory_space<vmem>>, vector<16xf32>,
    %get3A_129 = arith.constant 32 : index
    %get3A_130 = tpu.vector_load %arg19[%get3A_129] {strides = array<i32>} : memref<64xi32, #tpu.memory_space<vmem>>, vector<16xi32>,
    %gather3A_131 = tpu.vector_load_idx %arg13[%get3A_130] : memref<100000xf32, #tpu.memory_space<vmem>>[vector<16xi32>], vector<16xf32>,
    %swap3A_132 = arith.constant 32 : index
    %swap3A_133 = tpu.vector_load %arg17[%swap3A_132] {strides = array<i32>} : memref<64xf32, #tpu.memory_space<vmem>>, vector<16xf32>,
    tpu.vector_store %arg17[%swap3A_132], %gather3A_131 {strides = array<i32>} : memref<64xf32, #tpu.memory_space<vmem>>, vector<16xf32>,
    %get3A_134 = arith.constant 48 : index
    %get3A_135 = tpu.vector_load %arg19[%get3A_134] {strides = array<i32>} : memref<64xi32, #tpu.memory_space<vmem>>, vector<16xi32>,
    %gather3A_136 = tpu.vector_load_idx %arg13[%get3A_135] : memref<100000xf32, #tpu.memory_space<vmem>>[vector<16xi32>], vector<16xf32>,
    %swap3A_137 = arith.constant 48 : index
    %swap3A_138 = tpu.vector_load %arg17[%swap3A_137] {strides = array<i32>} : memref<64xf32, #tpu.memory_space<vmem>>, vector<16xf32>,
    tpu.vector_store %arg17[%swap3A_137], %gather3A_136 {strides = array<i32>} : memref<64xf32, #tpu.memory_space<vmem>>, vector<16xf32>,
    "tpu.region"() ({
      %run_scoped3A = tpu.sem_alloc : memref<!tpu.dma_semaphore, #tpu.memory_space<semaphore_mem>>
      %dma_start3A_335 = arith.constant 0 : i32
      %dma_start3A_336 = tpu.memref_slice %arg10[%add3A_112, %dma_start3A_335] : memref<4096x128xi32, #tpu.memory_space<hbm>> -> memref<64x128xi32, #tpu.memory_space<hbm>>
      %dma_start3A_337 = arith.constant 0 : i32
      %dma_start3A_338 = tpu.memref_slice %arg10[%add3A_112, %dma_start3A_337] : memref<4096x128xi32, #tpu.memory_space<hbm>> -> memref<64x128xi32, #tpu.memory_space<hbm>>
      tpu.enqueue_dma source(%arg15 : memref<64x128xi32, #tpu.memory_space<vmem>>) target(%dma_start3A_338 : memref<64x128xi32, #tpu.memory_space<hbm>>) target_semaphore(%run_scoped3A : memref<!tpu.dma_semaphore, #tpu.memory_space<semaphore_mem>>)
      %dma_wait3A_339 = arith.constant 0 : i32
      %dma_wait3A_340 = tpu.memref_slice %arg10[%add3A_112, %dma_wait3A_339] : memref<4096x128xi32, #tpu.memory_space<hbm>> -> memref<64x128xi32, #tpu.memory_space<hbm>>
      %dma_wait3A_341 = arith.constant 0 : i32
      %dma_wait3A_342 = tpu.memref_slice %arg10[%add3A_112, %dma_wait3A_341] : memref<4096x128xi32, #tpu.memory_space<hbm>> -> memref<64x128xi32, #tpu.memory_space<hbm>>
      tpu.wait_dma2 semaphore(%run_scoped3A : memref<!tpu.dma_semaphore, #tpu.memory_space<semaphore_mem>>) src(%arg15 : memref<64x128xi32, #tpu.memory_space<vmem>>) dst(%dma_wait3A_342 : memref<64x128xi32, #tpu.memory_space<hbm>>)
      tpu.yield
    }) : () -> ()
    "tpu.region"() ({
      %run_scoped3A = tpu.sem_alloc : memref<!tpu.dma_semaphore, #tpu.memory_space<semaphore_mem>>
      %dma_start3A_335 = tpu.memref_slice %arg11[%add3A_112] : memref<4096xf32, #tpu.memory_space<hbm>> -> memref<64xf32, #tpu.memory_space<hbm>>
      %dma_start3A_336 = tpu.memref_slice %arg11[%add3A_112] : memref<4096xf32, #tpu.memory_space<hbm>> -> memref<64xf32, #tpu.memory_space<hbm>>
      tpu.enqueue_dma source(%arg17 : memref<64xf32, #tpu.memory_space<vmem>>) target(%dma_start3A_336 : memref<64xf32, #tpu.memory_space<hbm>>) target_semaphore(%run_scoped3A : memref<!tpu.dma_semaphore, #tpu.memory_space<semaphore_mem>>)
      %dma_wait3A_337 = tpu.memref_slice %arg11[%add3A_112] : memref<4096xf32, #tpu.memory_space<hbm>> -> memref<64xf32, #tpu.memory_space<hbm>>
      %dma_wait3A_338 = tpu.memref_slice %arg11[%add3A_112] : memref<4096xf32, #tpu.memory_space<hbm>> -> memref<64xf32, #tpu.memory_space<hbm>>
      tpu.wait_dma2 semaphore(%run_scoped3A : memref<!tpu.dma_semaphore, #tpu.memory_space<semaphore_mem>>) src(%arg17 : memref<64xf32, #tpu.memory_space<vmem>>) dst(%dma_wait3A_338 : memref<64xf32, #tpu.memory_space<hbm>>)
      tpu.yield
    }) : () -> ()
    %add3A_139 = arith.constant 0 : i32
    %add3A_140 = arith.addi %mul3A_85, %add3A_139 : i32
    "tpu.region"() ({
      %run_scoped3A = tpu.sem_alloc : memref<!tpu.dma_semaphore, #tpu.memory_space<semaphore_mem>>
      %dma_start3A_335 = tpu.memref_slice %arg6[%add3A_140] : memref<4096xi32, #tpu.memory_space<hbm>> -> memref<64xi32, #tpu.memory_space<hbm>>
      %dma_start3A_336 = tpu.memref_slice %arg6[%add3A_140] : memref<4096xi32, #tpu.memory_space<hbm>> -> memref<64xi32, #tpu.memory_space<hbm>>
      tpu.enqueue_dma source(%dma_start3A_336 : memref<64xi32, #tpu.memory_space<hbm>>) target(%arg19 : memref<64xi32, #tpu.memory_space<vmem>>) target_semaphore(%run_scoped3A : memref<!tpu.dma_semaphore, #tpu.memory_space<semaphore_mem>>)
      %dma_wait3A_337 = tpu.memref_slice %arg6[%add3A_140] : memref<4096xi32, #tpu.memory_space<hbm>> -> memref<64xi32, #tpu.memory_space<hbm>>
      %dma_wait3A_338 = tpu.memref_slice %arg6[%add3A_140] : memref<4096xi32, #tpu.memory_space<hbm>> -> memref<64xi32, #tpu.memory_space<hbm>>
      tpu.wait_dma2 semaphore(%run_scoped3A : memref<!tpu.dma_semaphore, #tpu.memory_space<semaphore_mem>>) src(%dma_wait3A_338 : memref<64xi32, #tpu.memory_space<hbm>>) dst(%arg19 : memref<64xi32, #tpu.memory_space<vmem>>)
      tpu.yield
    }) : () -> ()
    %dma_start3A_141 = arith.constant 0 : i32
    %dma_start3A_142 = tpu.memref_slice %arg19[%dma_start3A_141] : memref<64xi32, #tpu.memory_space<vmem>> -> memref<8xi32, #tpu.memory_space<vmem>>
    %dma_start3A_143 = arith.constant 0 : i32
    %dma_start3A_144 = arith.constant 0 : i32
    %dma_start3A_145 = tpu.memref_slice %arg4[%dma_start3A_143, %dma_start3A_144] : memref<1000x512xf32, #tpu.memory_space<hbm>> -> memref<1000x512xf32, #tpu.memory_space<hbm>>
    tpu.enqueue_indirect_dma source(%dma_start3A_145 : memref<1000x512xf32, #tpu.memory_space<hbm>>) target(%arg20 : memref<8x512xf32, #tpu.memory_space<vmem>>) offsets(%dma_start3A_142 : memref<8xi32, #tpu.memory_space<vmem>>) semaphore(%arg21 : memref<!tpu.dma_semaphore, #tpu.memory_space<semaphore_mem>>)
    %dma_wait3A_146 = arith.constant 0 : i32
    %dma_wait3A_147 = tpu.memref_slice %arg19[%dma_wait3A_146] : memref<64xi32, #tpu.memory_space<vmem>> -> memref<8xi32, #tpu.memory_space<vmem>>
    %dma_wait3A_148 = arith.constant 0 : i32
    %dma_wait3A_149 = arith.constant 0 : i32
    %dma_wait3A_150 = tpu.memref_slice %arg4[%dma_wait3A_148, %dma_wait3A_149] : memref<1000x512xf32, #tpu.memory_space<hbm>> -> memref<1000x512xf32, #tpu.memory_space<hbm>>
    tpu.wait_indirect_dma semaphore(%arg21 : memref<!tpu.dma_semaphore, #tpu.memory_space<semaphore_mem>>) src(%dma_wait3A_150 : memref<1000x512xf32, #tpu.memory_space<hbm>>) dst(%arg20 : memref<8x512xf32, #tpu.memory_space<vmem>>)
    %add3A_151 = arith.constant 0 : i32
    %add3A_152 = arith.addi %add3A_140, %add3A_151 : i32
    "tpu.region"() ({
      %run_scoped3A = tpu.sem_alloc : memref<!tpu.dma_semaphore, #tpu.memory_space<semaphore_mem>>
      %dma_start3A_335 = arith.constant 0 : i32
      %dma_start3A_336 = tpu.memref_slice %arg12[%add3A_152, %dma_start3A_335] : memref<4096x512xf32, #tpu.memory_space<hbm>> -> memref<8x512xf32, #tpu.memory_space<hbm>>
      %dma_start3A_337 = arith.constant 0 : i32
      %dma_start3A_338 = tpu.memref_slice %arg12[%add3A_152, %dma_start3A_337] : memref<4096x512xf32, #tpu.memory_space<hbm>> -> memref<8x512xf32, #tpu.memory_space<hbm>>
      tpu.enqueue_dma source(%arg20 : memref<8x512xf32, #tpu.memory_space<vmem>>) target(%dma_start3A_338 : memref<8x512xf32, #tpu.memory_space<hbm>>) target_semaphore(%run_scoped3A : memref<!tpu.dma_semaphore, #tpu.memory_space<semaphore_mem>>)
      %dma_wait3A_339 = arith.constant 0 : i32
      %dma_wait3A_340 = tpu.memref_slice %arg12[%add3A_152, %dma_wait3A_339] : memref<4096x512xf32, #tpu.memory_space<hbm>> -> memref<8x512xf32, #tpu.memory_space<hbm>>
      %dma_wait3A_341 = arith.constant 0 : i32
      %dma_wait3A_342 = tpu.memref_slice %arg12[%add3A_152, %dma_wait3A_341] : memref<4096x512xf32, #tpu.memory_space<hbm>> -> memref<8x512xf32, #tpu.memory_space<hbm>>
      tpu.wait_dma2 semaphore(%run_scoped3A : memref<!tpu.dma_semaphore, #tpu.memory_space<semaphore_mem>>) src(%arg20 : memref<8x512xf32, #tpu.memory_space<vmem>>) dst(%dma_wait3A_342 : memref<8x512xf32, #tpu.memory_space<hbm>>)
      tpu.yield
    }) : () -> ()
    %dma_start3A_153 = arith.constant 8 : i32
    %dma_start3A_154 = tpu.memref_slice %arg19[%dma_start3A_153] : memref<64xi32, #tpu.memory_space<vmem>> -> memref<8xi32, #tpu.memory_space<vmem>>
    %dma_start3A_155 = arith.constant 0 : i32
    %dma_start3A_156 = arith.constant 0 : i32
    %dma_start3A_157 = tpu.memref_slice %arg4[%dma_start3A_155, %dma_start3A_156] : memref<1000x512xf32, #tpu.memory_space<hbm>> -> memref<1000x512xf32, #tpu.memory_space<hbm>>
    tpu.enqueue_indirect_dma source(%dma_start3A_157 : memref<1000x512xf32, #tpu.memory_space<hbm>>) target(%arg20 : memref<8x512xf32, #tpu.memory_space<vmem>>) offsets(%dma_start3A_154 : memref<8xi32, #tpu.memory_space<vmem>>) semaphore(%arg21 : memref<!tpu.dma_semaphore, #tpu.memory_space<semaphore_mem>>)
    %dma_wait3A_158 = arith.constant 8 : i32
    %dma_wait3A_159 = tpu.memref_slice %arg19[%dma_wait3A_158] : memref<64xi32, #tpu.memory_space<vmem>> -> memref<8xi32, #tpu.memory_space<vmem>>
    %dma_wait3A_160 = arith.constant 0 : i32
    %dma_wait3A_161 = arith.constant 0 : i32
    %dma_wait3A_162 = tpu.memref_slice %arg4[%dma_wait3A_160, %dma_wait3A_161] : memref<1000x512xf32, #tpu.memory_space<hbm>> -> memref<1000x512xf32, #tpu.memory_space<hbm>>
    tpu.wait_indirect_dma semaphore(%arg21 : memref<!tpu.dma_semaphore, #tpu.memory_space<semaphore_mem>>) src(%dma_wait3A_162 : memref<1000x512xf32, #tpu.memory_space<hbm>>) dst(%arg20 : memref<8x512xf32, #tpu.memory_space<vmem>>)
    %add3A_163 = arith.constant 8 : i32
    %add3A_164 = arith.addi %add3A_140, %add3A_163 : i32
    "tpu.region"() ({
      %run_scoped3A = tpu.sem_alloc : memref<!tpu.dma_semaphore, #tpu.memory_space<semaphore_mem>>
      %dma_start3A_335 = arith.constant 0 : i32
      %dma_start3A_336 = tpu.memref_slice %arg12[%add3A_164, %dma_start3A_335] : memref<4096x512xf32, #tpu.memory_space<hbm>> -> memref<8x512xf32, #tpu.memory_space<hbm>>
      %dma_start3A_337 = arith.constant 0 : i32
      %dma_start3A_338 = tpu.memref_slice %arg12[%add3A_164, %dma_start3A_337] : memref<4096x512xf32, #tpu.memory_space<hbm>> -> memref<8x512xf32, #tpu.memory_space<hbm>>
      tpu.enqueue_dma source(%arg20 : memref<8x512xf32, #tpu.memory_space<vmem>>) target(%dma_start3A_338 : memref<8x512xf32, #tpu.memory_space<hbm>>) target_semaphore(%run_scoped3A : memref<!tpu.dma_semaphore, #tpu.memory_space<semaphore_mem>>)
      %dma_wait3A_339 = arith.constant 0 : i32
      %dma_wait3A_340 = tpu.memref_slice %arg12[%add3A_164, %dma_wait3A_339] : memref<4096x512xf32, #tpu.memory_space<hbm>> -> memref<8x512xf32, #tpu.memory_space<hbm>>
      %dma_wait3A_341 = arith.constant 0 : i32
      %dma_wait3A_342 = tpu.memref_slice %arg12[%add3A_164, %dma_wait3A_341] : memref<4096x512xf32, #tpu.memory_space<hbm>> -> memref<8x512xf32, #tpu.memory_space<hbm>>
      tpu.wait_dma2 semaphore(%run_scoped3A : memref<!tpu.dma_semaphore, #tpu.memory_space<semaphore_mem>>) src(%arg20 : memref<8x512xf32, #tpu.memory_space<vmem>>) dst(%dma_wait3A_342 : memref<8x512xf32, #tpu.memory_space<hbm>>)
      tpu.yield
    }) : () -> ()
    %dma_start3A_165 = arith.constant 16 : i32
    %dma_start3A_166 = tpu.memref_slice %arg19[%dma_start3A_165] : memref<64xi32, #tpu.memory_space<vmem>> -> memref<8xi32, #tpu.memory_space<vmem>>
    %dma_start3A_167 = arith.constant 0 : i32
    %dma_start3A_168 = arith.constant 0 : i32
    %dma_start3A_169 = tpu.memref_slice %arg4[%dma_start3A_167, %dma_start3A_168] : memref<1000x512xf32, #tpu.memory_space<hbm>> -> memref<1000x512xf32, #tpu.memory_space<hbm>>
    tpu.enqueue_indirect_dma source(%dma_start3A_169 : memref<1000x512xf32, #tpu.memory_space<hbm>>) target(%arg20 : memref<8x512xf32, #tpu.memory_space<vmem>>) offsets(%dma_start3A_166 : memref<8xi32, #tpu.memory_space<vmem>>) semaphore(%arg21 : memref<!tpu.dma_semaphore, #tpu.memory_space<semaphore_mem>>)
    %dma_wait3A_170 = arith.constant 16 : i32
    %dma_wait3A_171 = tpu.memref_slice %arg19[%dma_wait3A_170] : memref<64xi32, #tpu.memory_space<vmem>> -> memref<8xi32, #tpu.memory_space<vmem>>
    %dma_wait3A_172 = arith.constant 0 : i32
    %dma_wait3A_173 = arith.constant 0 : i32
    %dma_wait3A_174 = tpu.memref_slice %arg4[%dma_wait3A_172, %dma_wait3A_173] : memref<1000x512xf32, #tpu.memory_space<hbm>> -> memref<1000x512xf32, #tpu.memory_space<hbm>>
    tpu.wait_indirect_dma semaphore(%arg21 : memref<!tpu.dma_semaphore, #tpu.memory_space<semaphore_mem>>) src(%dma_wait3A_174 : memref<1000x512xf32, #tpu.memory_space<hbm>>) dst(%arg20 : memref<8x512xf32, #tpu.memory_space<vmem>>)
    %add3A_175 = arith.constant 16 : i32
    %add3A_176 = arith.addi %add3A_140, %add3A_175 : i32
    "tpu.region"() ({
      %run_scoped3A = tpu.sem_alloc : memref<!tpu.dma_semaphore, #tpu.memory_space<semaphore_mem>>
      %dma_start3A_335 = arith.constant 0 : i32
      %dma_start3A_336 = tpu.memref_slice %arg12[%add3A_176, %dma_start3A_335] : memref<4096x512xf32, #tpu.memory_space<hbm>> -> memref<8x512xf32, #tpu.memory_space<hbm>>
      %dma_start3A_337 = arith.constant 0 : i32
      %dma_start3A_338 = tpu.memref_slice %arg12[%add3A_176, %dma_start3A_337] : memref<4096x512xf32, #tpu.memory_space<hbm>> -> memref<8x512xf32, #tpu.memory_space<hbm>>
      tpu.enqueue_dma source(%arg20 : memref<8x512xf32, #tpu.memory_space<vmem>>) target(%dma_start3A_338 : memref<8x512xf32, #tpu.memory_space<hbm>>) target_semaphore(%run_scoped3A : memref<!tpu.dma_semaphore, #tpu.memory_space<semaphore_mem>>)
      %dma_wait3A_339 = arith.constant 0 : i32
      %dma_wait3A_340 = tpu.memref_slice %arg12[%add3A_176, %dma_wait3A_339] : memref<4096x512xf32, #tpu.memory_space<hbm>> -> memref<8x512xf32, #tpu.memory_space<hbm>>
      %dma_wait3A_341 = arith.constant 0 : i32
      %dma_wait3A_342 = tpu.memref_slice %arg12[%add3A_176, %dma_wait3A_341] : memref<4096x512xf32, #tpu.memory_space<hbm>> -> memref<8x512xf32, #tpu.memory_space<hbm>>
      tpu.wait_dma2 semaphore(%run_scoped3A : memref<!tpu.dma_semaphore, #tpu.memory_space<semaphore_mem>>) src(%arg20 : memref<8x512xf32, #tpu.memory_space<vmem>>) dst(%dma_wait3A_342 : memref<8x512xf32, #tpu.memory_space<hbm>>)
      tpu.yield
    }) : () -> ()
    %dma_start3A_177 = arith.constant 24 : i32
    %dma_start3A_178 = tpu.memref_slice %arg19[%dma_start3A_177] : memref<64xi32, #tpu.memory_space<vmem>> -> memref<8xi32, #tpu.memory_space<vmem>>
    %dma_start3A_179 = arith.constant 0 : i32
    %dma_start3A_180 = arith.constant 0 : i32
    %dma_start3A_181 = tpu.memref_slice %arg4[%dma_start3A_179, %dma_start3A_180] : memref<1000x512xf32, #tpu.memory_space<hbm>> -> memref<1000x512xf32, #tpu.memory_space<hbm>>
    tpu.enqueue_indirect_dma source(%dma_start3A_181 : memref<1000x512xf32, #tpu.memory_space<hbm>>) target(%arg20 : memref<8x512xf32, #tpu.memory_space<vmem>>) offsets(%dma_start3A_178 : memref<8xi32, #tpu.memory_space<vmem>>) semaphore(%arg21 : memref<!tpu.dma_semaphore, #tpu.memory_space<semaphore_mem>>)
    %dma_wait3A_182 = arith.constant 24 : i32
    %dma_wait3A_183 = tpu.memref_slice %arg19[%dma_wait3A_182] : memref<64xi32, #tpu.memory_space<vmem>> -> memref<8xi32, #tpu.memory_space<vmem>>
    %dma_wait3A_184 = arith.constant 0 : i32
    %dma_wait3A_185 = arith.constant 0 : i32
    %dma_wait3A_186 = tpu.memref_slice %arg4[%dma_wait3A_184, %dma_wait3A_185] : memref<1000x512xf32, #tpu.memory_space<hbm>> -> memref<1000x512xf32, #tpu.memory_space<hbm>>
    tpu.wait_indirect_dma semaphore(%arg21 : memref<!tpu.dma_semaphore, #tpu.memory_space<semaphore_mem>>) src(%dma_wait3A_186 : memref<1000x512xf32, #tpu.memory_space<hbm>>) dst(%arg20 : memref<8x512xf32, #tpu.memory_space<vmem>>)
    %add3A_187 = arith.constant 24 : i32
    %add3A_188 = arith.addi %add3A_140, %add3A_187 : i32
    "tpu.region"() ({
      %run_scoped3A = tpu.sem_alloc : memref<!tpu.dma_semaphore, #tpu.memory_space<semaphore_mem>>
      %dma_start3A_335 = arith.constant 0 : i32
      %dma_start3A_336 = tpu.memref_slice %arg12[%add3A_188, %dma_start3A_335] : memref<4096x512xf32, #tpu.memory_space<hbm>> -> memref<8x512xf32, #tpu.memory_space<hbm>>
      %dma_start3A_337 = arith.constant 0 : i32
      %dma_start3A_338 = tpu.memref_slice %arg12[%add3A_188, %dma_start3A_337] : memref<4096x512xf32, #tpu.memory_space<hbm>> -> memref<8x512xf32, #tpu.memory_space<hbm>>
      tpu.enqueue_dma source(%arg20 : memref<8x512xf32, #tpu.memory_space<vmem>>) target(%dma_start3A_338 : memref<8x512xf32, #tpu.memory_space<hbm>>) target_semaphore(%run_scoped3A : memref<!tpu.dma_semaphore, #tpu.memory_space<semaphore_mem>>)
      %dma_wait3A_339 = arith.constant 0 : i32
      %dma_wait3A_340 = tpu.memref_slice %arg12[%add3A_188, %dma_wait3A_339] : memref<4096x512xf32, #tpu.memory_space<hbm>> -> memref<8x512xf32, #tpu.memory_space<hbm>>
      %dma_wait3A_341 = arith.constant 0 : i32
      %dma_wait3A_342 = tpu.memref_slice %arg12[%add3A_188, %dma_wait3A_341] : memref<4096x512xf32, #tpu.memory_space<hbm>> -> memref<8x512xf32, #tpu.memory_space<hbm>>
      tpu.wait_dma2 semaphore(%run_scoped3A : memref<!tpu.dma_semaphore, #tpu.memory_space<semaphore_mem>>) src(%arg20 : memref<8x512xf32, #tpu.memory_space<vmem>>) dst(%dma_wait3A_342 : memref<8x512xf32, #tpu.memory_space<hbm>>)
      tpu.yield
    }) : () -> ()
    %dma_start3A_189 = arith.constant 32 : i32
    %dma_start3A_190 = tpu.memref_slice %arg19[%dma_start3A_189] : memref<64xi32, #tpu.memory_space<vmem>> -> memref<8xi32, #tpu.memory_space<vmem>>
    %dma_start3A_191 = arith.constant 0 : i32
    %dma_start3A_192 = arith.constant 0 : i32
    %dma_start3A_193 = tpu.memref_slice %arg4[%dma_start3A_191, %dma_start3A_192] : memref<1000x512xf32, #tpu.memory_space<hbm>> -> memref<1000x512xf32, #tpu.memory_space<hbm>>
    tpu.enqueue_indirect_dma source(%dma_start3A_193 : memref<1000x512xf32, #tpu.memory_space<hbm>>) target(%arg20 : memref<8x512xf32, #tpu.memory_space<vmem>>) offsets(%dma_start3A_190 : memref<8xi32, #tpu.memory_space<vmem>>) semaphore(%arg21 : memref<!tpu.dma_semaphore, #tpu.memory_space<semaphore_mem>>)
    %dma_wait3A_194 = arith.constant 32 : i32
    %dma_wait3A_195 = tpu.memref_slice %arg19[%dma_wait3A_194] : memref<64xi32, #tpu.memory_space<vmem>> -> memref<8xi32, #tpu.memory_space<vmem>>
    %dma_wait3A_196 = arith.constant 0 : i32
    %dma_wait3A_197 = arith.constant 0 : i32
    %dma_wait3A_198 = tpu.memref_slice %arg4[%dma_wait3A_196, %dma_wait3A_197] : memref<1000x512xf32, #tpu.memory_space<hbm>> -> memref<1000x512xf32, #tpu.memory_space<hbm>>
    tpu.wait_indirect_dma semaphore(%arg21 : memref<!tpu.dma_semaphore, #tpu.memory_space<semaphore_mem>>) src(%dma_wait3A_198 : memref<1000x512xf32, #tpu.memory_space<hbm>>) dst(%arg20 : memref<8x512xf32, #tpu.memory_space<vmem>>)
    %add3A_199 = arith.constant 32 : i32
    %add3A_200 = arith.addi %add3A_140, %add3A_199 : i32
    "tpu.region"() ({
      %run_scoped3A = tpu.sem_alloc : memref<!tpu.dma_semaphore, #tpu.memory_space<semaphore_mem>>
      %dma_start3A_335 = arith.constant 0 : i32
      %dma_start3A_336 = tpu.memref_slice %arg12[%add3A_200, %dma_start3A_335] : memref<4096x512xf32, #tpu.memory_space<hbm>> -> memref<8x512xf32, #tpu.memory_space<hbm>>
      %dma_start3A_337 = arith.constant 0 : i32
      %dma_start3A_338 = tpu.memref_slice %arg12[%add3A_200, %dma_start3A_337] : memref<4096x512xf32, #tpu.memory_space<hbm>> -> memref<8x512xf32, #tpu.memory_space<hbm>>
      tpu.enqueue_dma source(%arg20 : memref<8x512xf32, #tpu.memory_space<vmem>>) target(%dma_start3A_338 : memref<8x512xf32, #tpu.memory_space<hbm>>) target_semaphore(%run_scoped3A : memref<!tpu.dma_semaphore, #tpu.memory_space<semaphore_mem>>)
      %dma_wait3A_339 = arith.constant 0 : i32
      %dma_wait3A_340 = tpu.memref_slice %arg12[%add3A_200, %dma_wait3A_339] : memref<4096x512xf32, #tpu.memory_space<hbm>> -> memref<8x512xf32, #tpu.memory_space<hbm>>
      %dma_wait3A_341 = arith.constant 0 : i32
      %dma_wait3A_342 = tpu.memref_slice %arg12[%add3A_200, %dma_wait3A_341] : memref<4096x512xf32, #tpu.memory_space<hbm>> -> memref<8x512xf32, #tpu.memory_space<hbm>>
      tpu.wait_dma2 semaphore(%run_scoped3A : memref<!tpu.dma_semaphore, #tpu.memory_space<semaphore_mem>>) src(%arg20 : memref<8x512xf32, #tpu.memory_space<vmem>>) dst(%dma_wait3A_342 : memref<8x512xf32, #tpu.memory_space<hbm>>)
      tpu.yield
    }) : () -> ()
    %dma_start3A_201 = arith.constant 40 : i32
    %dma_start3A_202 = tpu.memref_slice %arg19[%dma_start3A_201] : memref<64xi32, #tpu.memory_space<vmem>> -> memref<8xi32, #tpu.memory_space<vmem>>
    %dma_start3A_203 = arith.constant 0 : i32
    %dma_start3A_204 = arith.constant 0 : i32
    %dma_start3A_205 = tpu.memref_slice %arg4[%dma_start3A_203, %dma_start3A_204] : memref<1000x512xf32, #tpu.memory_space<hbm>> -> memref<1000x512xf32, #tpu.memory_space<hbm>>
    tpu.enqueue_indirect_dma source(%dma_start3A_205 : memref<1000x512xf32, #tpu.memory_space<hbm>>) target(%arg20 : memref<8x512xf32, #tpu.memory_space<vmem>>) offsets(%dma_start3A_202 : memref<8xi32, #tpu.memory_space<vmem>>) semaphore(%arg21 : memref<!tpu.dma_semaphore, #tpu.memory_space<semaphore_mem>>)
    %dma_wait3A_206 = arith.constant 40 : i32
    %dma_wait3A_207 = tpu.memref_slice %arg19[%dma_wait3A_206] : memref<64xi32, #tpu.memory_space<vmem>> -> memref<8xi32, #tpu.memory_space<vmem>>
    %dma_wait3A_208 = arith.constant 0 : i32
    %dma_wait3A_209 = arith.constant 0 : i32
    %dma_wait3A_210 = tpu.memref_slice %arg4[%dma_wait3A_208, %dma_wait3A_209] : memref<1000x512xf32, #tpu.memory_space<hbm>> -> memref<1000x512xf32, #tpu.memory_space<hbm>>
    tpu.wait_indirect_dma semaphore(%arg21 : memref<!tpu.dma_semaphore, #tpu.memory_space<semaphore_mem>>) src(%dma_wait3A_210 : memref<1000x512xf32, #tpu.memory_space<hbm>>) dst(%arg20 : memref<8x512xf32, #tpu.memory_space<vmem>>)
    %add3A_211 = arith.constant 40 : i32
    %add3A_212 = arith.addi %add3A_140, %add3A_211 : i32
    "tpu.region"() ({
      %run_scoped3A = tpu.sem_alloc : memref<!tpu.dma_semaphore, #tpu.memory_space<semaphore_mem>>
      %dma_start3A_335 = arith.constant 0 : i32
      %dma_start3A_336 = tpu.memref_slice %arg12[%add3A_212, %dma_start3A_335] : memref<4096x512xf32, #tpu.memory_space<hbm>> -> memref<8x512xf32, #tpu.memory_space<hbm>>
      %dma_start3A_337 = arith.constant 0 : i32
      %dma_start3A_338 = tpu.memref_slice %arg12[%add3A_212, %dma_start3A_337] : memref<4096x512xf32, #tpu.memory_space<hbm>> -> memref<8x512xf32, #tpu.memory_space<hbm>>
      tpu.enqueue_dma source(%arg20 : memref<8x512xf32, #tpu.memory_space<vmem>>) target(%dma_start3A_338 : memref<8x512xf32, #tpu.memory_space<hbm>>) target_semaphore(%run_scoped3A : memref<!tpu.dma_semaphore, #tpu.memory_space<semaphore_mem>>)
      %dma_wait3A_339 = arith.constant 0 : i32
      %dma_wait3A_340 = tpu.memref_slice %arg12[%add3A_212, %dma_wait3A_339] : memref<4096x512xf32, #tpu.memory_space<hbm>> -> memref<8x512xf32, #tpu.memory_space<hbm>>
      %dma_wait3A_341 = arith.constant 0 : i32
      %dma_wait3A_342 = tpu.memref_slice %arg12[%add3A_212, %dma_wait3A_341] : memref<4096x512xf32, #tpu.memory_space<hbm>> -> memref<8x512xf32, #tpu.memory_space<hbm>>
      tpu.wait_dma2 semaphore(%run_scoped3A : memref<!tpu.dma_semaphore, #tpu.memory_space<semaphore_mem>>) src(%arg20 : memref<8x512xf32, #tpu.memory_space<vmem>>) dst(%dma_wait3A_342 : memref<8x512xf32, #tpu.memory_space<hbm>>)
      tpu.yield
    }) : () -> ()
    %dma_start3A_213 = arith.constant 48 : i32
    %dma_start3A_214 = tpu.memref_slice %arg19[%dma_start3A_213] : memref<64xi32, #tpu.memory_space<vmem>> -> memref<8xi32, #tpu.memory_space<vmem>>
    %dma_start3A_215 = arith.constant 0 : i32
    %dma_start3A_216 = arith.constant 0 : i32
    %dma_start3A_217 = tpu.memref_slice %arg4[%dma_start3A_215, %dma_start3A_216] : memref<1000x512xf32, #tpu.memory_space<hbm>> -> memref<1000x512xf32, #tpu.memory_space<hbm>>
    tpu.enqueue_indirect_dma source(%dma_start3A_217 : memref<1000x512xf32, #tpu.memory_space<hbm>>) target(%arg20 : memref<8x512xf32, #tpu.memory_space<vmem>>) offsets(%dma_start3A_214 : memref<8xi32, #tpu.memory_space<vmem>>) semaphore(%arg21 : memref<!tpu.dma_semaphore, #tpu.memory_space<semaphore_mem>>)
    %dma_wait3A_218 = arith.constant 48 : i32
    %dma_wait3A_219 = tpu.memref_slice %arg19[%dma_wait3A_218] : memref<64xi32, #tpu.memory_space<vmem>> -> memref<8xi32, #tpu.memory_space<vmem>>
    %dma_wait3A_220 = arith.constant 0 : i32
    %dma_wait3A_221 = arith.constant 0 : i32
    %dma_wait3A_222 = tpu.memref_slice %arg4[%dma_wait3A_220, %dma_wait3A_221] : memref<1000x512xf32, #tpu.memory_space<hbm>> -> memref<1000x512xf32, #tpu.memory_space<hbm>>
    tpu.wait_indirect_dma semaphore(%arg21 : memref<!tpu.dma_semaphore, #tpu.memory_space<semaphore_mem>>) src(%dma_wait3A_222 : memref<1000x512xf32, #tpu.memory_space<hbm>>) dst(%arg20 : memref<8x512xf32, #tpu.memory_space<vmem>>)
    %add3A_223 = arith.constant 48 : i32
    %add3A_224 = arith.addi %add3A_140, %add3A_223 : i32
    "tpu.region"() ({
      %run_scoped3A = tpu.sem_alloc : memref<!tpu.dma_semaphore, #tpu.memory_space<semaphore_mem>>
      %dma_start3A_335 = arith.constant 0 : i32
      %dma_start3A_336 = tpu.memref_slice %arg12[%add3A_224, %dma_start3A_335] : memref<4096x512xf32, #tpu.memory_space<hbm>> -> memref<8x512xf32, #tpu.memory_space<hbm>>
      %dma_start3A_337 = arith.constant 0 : i32
      %dma_start3A_338 = tpu.memref_slice %arg12[%add3A_224, %dma_start3A_337] : memref<4096x512xf32, #tpu.memory_space<hbm>> -> memref<8x512xf32, #tpu.memory_space<hbm>>
      tpu.enqueue_dma source(%arg20 : memref<8x512xf32, #tpu.memory_space<vmem>>) target(%dma_start3A_338 : memref<8x512xf32, #tpu.memory_space<hbm>>) target_semaphore(%run_scoped3A : memref<!tpu.dma_semaphore, #tpu.memory_space<semaphore_mem>>)
      %dma_wait3A_339 = arith.constant 0 : i32
      %dma_wait3A_340 = tpu.memref_slice %arg12[%add3A_224, %dma_wait3A_339] : memref<4096x512xf32, #tpu.memory_space<hbm>> -> memref<8x512xf32, #tpu.memory_space<hbm>>
      %dma_wait3A_341 = arith.constant 0 : i32
      %dma_wait3A_342 = tpu.memref_slice %arg12[%add3A_224, %dma_wait3A_341] : memref<4096x512xf32, #tpu.memory_space<hbm>> -> memref<8x512xf32, #tpu.memory_space<hbm>>
      tpu.wait_dma2 semaphore(%run_scoped3A : memref<!tpu.dma_semaphore, #tpu.memory_space<semaphore_mem>>) src(%arg20 : memref<8x512xf32, #tpu.memory_space<vmem>>) dst(%dma_wait3A_342 : memref<8x512xf32, #tpu.memory_space<hbm>>)
      tpu.yield
    }) : () -> ()
    %dma_start3A_225 = arith.constant 56 : i32
    %dma_start3A_226 = tpu.memref_slice %arg19[%dma_start3A_225] : memref<64xi32, #tpu.memory_space<vmem>> -> memref<8xi32, #tpu.memory_space<vmem>>
    %dma_start3A_227 = arith.constant 0 : i32
    %dma_start3A_228 = arith.constant 0 : i32
    %dma_start3A_229 = tpu.memref_slice %arg4[%dma_start3A_227, %dma_start3A_228] : memref<1000x512xf32, #tpu.memory_space<hbm>> -> memref<1000x512xf32, #tpu.memory_space<hbm>>
    tpu.enqueue_indirect_dma source(%dma_start3A_229 : memref<1000x512xf32, #tpu.memory_space<hbm>>) target(%arg20 : memref<8x512xf32, #tpu.memory_space<vmem>>) offsets(%dma_start3A_226 : memref<8xi32, #tpu.memory_space<vmem>>) semaphore(%arg21 : memref<!tpu.dma_semaphore, #tpu.memory_space<semaphore_mem>>)
    %dma_wait3A_230 = arith.constant 56 : i32
    %dma_wait3A_231 = tpu.memref_slice %arg19[%dma_wait3A_230] : memref<64xi32, #tpu.memory_space<vmem>> -> memref<8xi32, #tpu.memory_space<vmem>>
    %dma_wait3A_232 = arith.constant 0 : i32
    %dma_wait3A_233 = arith.constant 0 : i32
    %dma_wait3A_234 = tpu.memref_slice %arg4[%dma_wait3A_232, %dma_wait3A_233] : memref<1000x512xf32, #tpu.memory_space<hbm>> -> memref<1000x512xf32, #tpu.memory_space<hbm>>
    tpu.wait_indirect_dma semaphore(%arg21 : memref<!tpu.dma_semaphore, #tpu.memory_space<semaphore_mem>>) src(%dma_wait3A_234 : memref<1000x512xf32, #tpu.memory_space<hbm>>) dst(%arg20 : memref<8x512xf32, #tpu.memory_space<vmem>>)
    %add3A_235 = arith.constant 56 : i32
    %add3A_236 = arith.addi %add3A_140, %add3A_235 : i32
    "tpu.region"() ({
      %run_scoped3A = tpu.sem_alloc : memref<!tpu.dma_semaphore, #tpu.memory_space<semaphore_mem>>
      %dma_start3A_335 = arith.constant 0 : i32
      %dma_start3A_336 = tpu.memref_slice %arg12[%add3A_236, %dma_start3A_335] : memref<4096x512xf32, #tpu.memory_space<hbm>> -> memref<8x512xf32, #tpu.memory_space<hbm>>
      %dma_start3A_337 = arith.constant 0 : i32
      %dma_start3A_338 = tpu.memref_slice %arg12[%add3A_236, %dma_start3A_337] : memref<4096x512xf32, #tpu.memory_space<hbm>> -> memref<8x512xf32, #tpu.memory_space<hbm>>
      tpu.enqueue_dma source(%arg20 : memref<8x512xf32, #tpu.memory_space<vmem>>) target(%dma_start3A_338 : memref<8x512xf32, #tpu.memory_space<hbm>>) target_semaphore(%run_scoped3A : memref<!tpu.dma_semaphore, #tpu.memory_space<semaphore_mem>>)
      %dma_wait3A_339 = arith.constant 0 : i32
      %dma_wait3A_340 = tpu.memref_slice %arg12[%add3A_236, %dma_wait3A_339] : memref<4096x512xf32, #tpu.memory_space<hbm>> -> memref<8x512xf32, #tpu.memory_space<hbm>>
      %dma_wait3A_341 = arith.constant 0 : i32
      %dma_wait3A_342 = tpu.memref_slice %arg12[%add3A_236, %dma_wait3A_341] : memref<4096x512xf32, #tpu.memory_space<hbm>> -> memref<8x512xf32, #tpu.memory_space<hbm>>
      tpu.wait_dma2 semaphore(%run_scoped3A : memref<!tpu.dma_semaphore, #tpu.memory_space<semaphore_mem>>) src(%arg20 : memref<8x512xf32, #tpu.memory_space<vmem>>) dst(%dma_wait3A_342 : memref<8x512xf32, #tpu.memory_space<hbm>>)
      tpu.yield
    }) : () -> ()
    %add3A_237 = arith.constant 64 : i32
    %add3A_238 = arith.addi %mul3A_85, %add3A_237 : i32
    "tpu.region"() ({
      %run_scoped3A = tpu.sem_alloc : memref<!tpu.dma_semaphore, #tpu.memory_space<semaphore_mem>>
      %dma_start3A_335 = tpu.memref_slice %arg6[%add3A_238] : memref<4096xi32, #tpu.memory_space<hbm>> -> memref<64xi32, #tpu.memory_space<hbm>>
      %dma_start3A_336 = tpu.memref_slice %arg6[%add3A_238] : memref<4096xi32, #tpu.memory_space<hbm>> -> memref<64xi32, #tpu.memory_space<hbm>>
      tpu.enqueue_dma source(%dma_start3A_336 : memref<64xi32, #tpu.memory_space<hbm>>) target(%arg19 : memref<64xi32, #tpu.memory_space<vmem>>) target_semaphore(%run_scoped3A : memref<!tpu.dma_semaphore, #tpu.memory_space<semaphore_mem>>)
      %dma_wait3A_337 = tpu.memref_slice %arg6[%add3A_238] : memref<4096xi32, #tpu.memory_space<hbm>> -> memref<64xi32, #tpu.memory_space<hbm>>
      %dma_wait3A_338 = tpu.memref_slice %arg6[%add3A_238] : memref<4096xi32, #tpu.memory_space<hbm>> -> memref<64xi32, #tpu.memory_space<hbm>>
      tpu.wait_dma2 semaphore(%run_scoped3A : memref<!tpu.dma_semaphore, #tpu.memory_space<semaphore_mem>>) src(%dma_wait3A_338 : memref<64xi32, #tpu.memory_space<hbm>>) dst(%arg19 : memref<64xi32, #tpu.memory_space<vmem>>)
      tpu.yield
    }) : () -> ()
    %dma_start3A_239 = arith.constant 0 : i32
    %dma_start3A_240 = tpu.memref_slice %arg19[%dma_start3A_239] : memref<64xi32, #tpu.memory_space<vmem>> -> memref<8xi32, #tpu.memory_space<vmem>>
    %dma_start3A_241 = arith.constant 0 : i32
    %dma_start3A_242 = arith.constant 0 : i32
    %dma_start3A_243 = tpu.memref_slice %arg4[%dma_start3A_241, %dma_start3A_242] : memref<1000x512xf32, #tpu.memory_space<hbm>> -> memref<1000x512xf32, #tpu.memory_space<hbm>>
    tpu.enqueue_indirect_dma source(%dma_start3A_243 : memref<1000x512xf32, #tpu.memory_space<hbm>>) target(%arg20 : memref<8x512xf32, #tpu.memory_space<vmem>>) offsets(%dma_start3A_240 : memref<8xi32, #tpu.memory_space<vmem>>) semaphore(%arg21 : memref<!tpu.dma_semaphore, #tpu.memory_space<semaphore_mem>>)
    %dma_wait3A_244 = arith.constant 0 : i32
    %dma_wait3A_245 = tpu.memref_slice %arg19[%dma_wait3A_244] : memref<64xi32, #tpu.memory_space<vmem>> -> memref<8xi32, #tpu.memory_space<vmem>>
    %dma_wait3A_246 = arith.constant 0 : i32
    %dma_wait3A_247 = arith.constant 0 : i32
    %dma_wait3A_248 = tpu.memref_slice %arg4[%dma_wait3A_246, %dma_wait3A_247] : memref<1000x512xf32, #tpu.memory_space<hbm>> -> memref<1000x512xf32, #tpu.memory_space<hbm>>
    tpu.wait_indirect_dma semaphore(%arg21 : memref<!tpu.dma_semaphore, #tpu.memory_space<semaphore_mem>>) src(%dma_wait3A_248 : memref<1000x512xf32, #tpu.memory_space<hbm>>) dst(%arg20 : memref<8x512xf32, #tpu.memory_space<vmem>>)
    %add3A_249 = arith.constant 0 : i32
    %add3A_250 = arith.addi %add3A_238, %add3A_249 : i32
    "tpu.region"() ({
      %run_scoped3A = tpu.sem_alloc : memref<!tpu.dma_semaphore, #tpu.memory_space<semaphore_mem>>
      %dma_start3A_335 = arith.constant 0 : i32
      %dma_start3A_336 = tpu.memref_slice %arg12[%add3A_250, %dma_start3A_335] : memref<4096x512xf32, #tpu.memory_space<hbm>> -> memref<8x512xf32, #tpu.memory_space<hbm>>
      %dma_start3A_337 = arith.constant 0 : i32
      %dma_start3A_338 = tpu.memref_slice %arg12[%add3A_250, %dma_start3A_337] : memref<4096x512xf32, #tpu.memory_space<hbm>> -> memref<8x512xf32, #tpu.memory_space<hbm>>
      tpu.enqueue_dma source(%arg20 : memref<8x512xf32, #tpu.memory_space<vmem>>) target(%dma_start3A_338 : memref<8x512xf32, #tpu.memory_space<hbm>>) target_semaphore(%run_scoped3A : memref<!tpu.dma_semaphore, #tpu.memory_space<semaphore_mem>>)
      %dma_wait3A_339 = arith.constant 0 : i32
      %dma_wait3A_340 = tpu.memref_slice %arg12[%add3A_250, %dma_wait3A_339] : memref<4096x512xf32, #tpu.memory_space<hbm>> -> memref<8x512xf32, #tpu.memory_space<hbm>>
      %dma_wait3A_341 = arith.constant 0 : i32
      %dma_wait3A_342 = tpu.memref_slice %arg12[%add3A_250, %dma_wait3A_341] : memref<4096x512xf32, #tpu.memory_space<hbm>> -> memref<8x512xf32, #tpu.memory_space<hbm>>
      tpu.wait_dma2 semaphore(%run_scoped3A : memref<!tpu.dma_semaphore, #tpu.memory_space<semaphore_mem>>) src(%arg20 : memref<8x512xf32, #tpu.memory_space<vmem>>) dst(%dma_wait3A_342 : memref<8x512xf32, #tpu.memory_space<hbm>>)
      tpu.yield
    }) : () -> ()
    %dma_start3A_251 = arith.constant 8 : i32
    %dma_start3A_252 = tpu.memref_slice %arg19[%dma_start3A_251] : memref<64xi32, #tpu.memory_space<vmem>> -> memref<8xi32, #tpu.memory_space<vmem>>
    %dma_start3A_253 = arith.constant 0 : i32
    %dma_start3A_254 = arith.constant 0 : i32
    %dma_start3A_255 = tpu.memref_slice %arg4[%dma_start3A_253, %dma_start3A_254] : memref<1000x512xf32, #tpu.memory_space<hbm>> -> memref<1000x512xf32, #tpu.memory_space<hbm>>
    tpu.enqueue_indirect_dma source(%dma_start3A_255 : memref<1000x512xf32, #tpu.memory_space<hbm>>) target(%arg20 : memref<8x512xf32, #tpu.memory_space<vmem>>) offsets(%dma_start3A_252 : memref<8xi32, #tpu.memory_space<vmem>>) semaphore(%arg21 : memref<!tpu.dma_semaphore, #tpu.memory_space<semaphore_mem>>)
    %dma_wait3A_256 = arith.constant 8 : i32
    %dma_wait3A_257 = tpu.memref_slice %arg19[%dma_wait3A_256] : memref<64xi32, #tpu.memory_space<vmem>> -> memref<8xi32, #tpu.memory_space<vmem>>
    %dma_wait3A_258 = arith.constant 0 : i32
    %dma_wait3A_259 = arith.constant 0 : i32
    %dma_wait3A_260 = tpu.memref_slice %arg4[%dma_wait3A_258, %dma_wait3A_259] : memref<1000x512xf32, #tpu.memory_space<hbm>> -> memref<1000x512xf32, #tpu.memory_space<hbm>>
    tpu.wait_indirect_dma semaphore(%arg21 : memref<!tpu.dma_semaphore, #tpu.memory_space<semaphore_mem>>) src(%dma_wait3A_260 : memref<1000x512xf32, #tpu.memory_space<hbm>>) dst(%arg20 : memref<8x512xf32, #tpu.memory_space<vmem>>)
    %add3A_261 = arith.constant 8 : i32
    %add3A_262 = arith.addi %add3A_238, %add3A_261 : i32
    "tpu.region"() ({
      %run_scoped3A = tpu.sem_alloc : memref<!tpu.dma_semaphore, #tpu.memory_space<semaphore_mem>>
      %dma_start3A_335 = arith.constant 0 : i32
      %dma_start3A_336 = tpu.memref_slice %arg12[%add3A_262, %dma_start3A_335] : memref<4096x512xf32, #tpu.memory_space<hbm>> -> memref<8x512xf32, #tpu.memory_space<hbm>>
      %dma_start3A_337 = arith.constant 0 : i32
      %dma_start3A_338 = tpu.memref_slice %arg12[%add3A_262, %dma_start3A_337] : memref<4096x512xf32, #tpu.memory_space<hbm>> -> memref<8x512xf32, #tpu.memory_space<hbm>>
      tpu.enqueue_dma source(%arg20 : memref<8x512xf32, #tpu.memory_space<vmem>>) target(%dma_start3A_338 : memref<8x512xf32, #tpu.memory_space<hbm>>) target_semaphore(%run_scoped3A : memref<!tpu.dma_semaphore, #tpu.memory_space<semaphore_mem>>)
      %dma_wait3A_339 = arith.constant 0 : i32
      %dma_wait3A_340 = tpu.memref_slice %arg12[%add3A_262, %dma_wait3A_339] : memref<4096x512xf32, #tpu.memory_space<hbm>> -> memref<8x512xf32, #tpu.memory_space<hbm>>
      %dma_wait3A_341 = arith.constant 0 : i32
      %dma_wait3A_342 = tpu.memref_slice %arg12[%add3A_262, %dma_wait3A_341] : memref<4096x512xf32, #tpu.memory_space<hbm>> -> memref<8x512xf32, #tpu.memory_space<hbm>>
      tpu.wait_dma2 semaphore(%run_scoped3A : memref<!tpu.dma_semaphore, #tpu.memory_space<semaphore_mem>>) src(%arg20 : memref<8x512xf32, #tpu.memory_space<vmem>>) dst(%dma_wait3A_342 : memref<8x512xf32, #tpu.memory_space<hbm>>)
      tpu.yield
    }) : () -> ()
    %dma_start3A_263 = arith.constant 16 : i32
    %dma_start3A_264 = tpu.memref_slice %arg19[%dma_start3A_263] : memref<64xi32, #tpu.memory_space<vmem>> -> memref<8xi32, #tpu.memory_space<vmem>>
    %dma_start3A_265 = arith.constant 0 : i32
    %dma_start3A_266 = arith.constant 0 : i32
    %dma_start3A_267 = tpu.memref_slice %arg4[%dma_start3A_265, %dma_start3A_266] : memref<1000x512xf32, #tpu.memory_space<hbm>> -> memref<1000x512xf32, #tpu.memory_space<hbm>>
    tpu.enqueue_indirect_dma source(%dma_start3A_267 : memref<1000x512xf32, #tpu.memory_space<hbm>>) target(%arg20 : memref<8x512xf32, #tpu.memory_space<vmem>>) offsets(%dma_start3A_264 : memref<8xi32, #tpu.memory_space<vmem>>) semaphore(%arg21 : memref<!tpu.dma_semaphore, #tpu.memory_space<semaphore_mem>>)
    %dma_wait3A_268 = arith.constant 16 : i32
    %dma_wait3A_269 = tpu.memref_slice %arg19[%dma_wait3A_268] : memref<64xi32, #tpu.memory_space<vmem>> -> memref<8xi32, #tpu.memory_space<vmem>>
    %dma_wait3A_270 = arith.constant 0 : i32
    %dma_wait3A_271 = arith.constant 0 : i32
    %dma_wait3A_272 = tpu.memref_slice %arg4[%dma_wait3A_270, %dma_wait3A_271] : memref<1000x512xf32, #tpu.memory_space<hbm>> -> memref<1000x512xf32, #tpu.memory_space<hbm>>
    tpu.wait_indirect_dma semaphore(%arg21 : memref<!tpu.dma_semaphore, #tpu.memory_space<semaphore_mem>>) src(%dma_wait3A_272 : memref<1000x512xf32, #tpu.memory_space<hbm>>) dst(%arg20 : memref<8x512xf32, #tpu.memory_space<vmem>>)
    %add3A_273 = arith.constant 16 : i32
    %add3A_274 = arith.addi %add3A_238, %add3A_273 : i32
    "tpu.region"() ({
      %run_scoped3A = tpu.sem_alloc : memref<!tpu.dma_semaphore, #tpu.memory_space<semaphore_mem>>
      %dma_start3A_335 = arith.constant 0 : i32
      %dma_start3A_336 = tpu.memref_slice %arg12[%add3A_274, %dma_start3A_335] : memref<4096x512xf32, #tpu.memory_space<hbm>> -> memref<8x512xf32, #tpu.memory_space<hbm>>
      %dma_start3A_337 = arith.constant 0 : i32
      %dma_start3A_338 = tpu.memref_slice %arg12[%add3A_274, %dma_start3A_337] : memref<4096x512xf32, #tpu.memory_space<hbm>> -> memref<8x512xf32, #tpu.memory_space<hbm>>
      tpu.enqueue_dma source(%arg20 : memref<8x512xf32, #tpu.memory_space<vmem>>) target(%dma_start3A_338 : memref<8x512xf32, #tpu.memory_space<hbm>>) target_semaphore(%run_scoped3A : memref<!tpu.dma_semaphore, #tpu.memory_space<semaphore_mem>>)
      %dma_wait3A_339 = arith.constant 0 : i32
      %dma_wait3A_340 = tpu.memref_slice %arg12[%add3A_274, %dma_wait3A_339] : memref<4096x512xf32, #tpu.memory_space<hbm>> -> memref<8x512xf32, #tpu.memory_space<hbm>>
      %dma_wait3A_341 = arith.constant 0 : i32
      %dma_wait3A_342 = tpu.memref_slice %arg12[%add3A_274, %dma_wait3A_341] : memref<4096x512xf32, #tpu.memory_space<hbm>> -> memref<8x512xf32, #tpu.memory_space<hbm>>
      tpu.wait_dma2 semaphore(%run_scoped3A : memref<!tpu.dma_semaphore, #tpu.memory_space<semaphore_mem>>) src(%arg20 : memref<8x512xf32, #tpu.memory_space<vmem>>) dst(%dma_wait3A_342 : memref<8x512xf32, #tpu.memory_space<hbm>>)
      tpu.yield
    }) : () -> ()
    %dma_start3A_275 = arith.constant 24 : i32
    %dma_start3A_276 = tpu.memref_slice %arg19[%dma_start3A_275] : memref<64xi32, #tpu.memory_space<vmem>> -> memref<8xi32, #tpu.memory_space<vmem>>
    %dma_start3A_277 = arith.constant 0 : i32
    %dma_start3A_278 = arith.constant 0 : i32
    %dma_start3A_279 = tpu.memref_slice %arg4[%dma_start3A_277, %dma_start3A_278] : memref<1000x512xf32, #tpu.memory_space<hbm>> -> memref<1000x512xf32, #tpu.memory_space<hbm>>
    tpu.enqueue_indirect_dma source(%dma_start3A_279 : memref<1000x512xf32, #tpu.memory_space<hbm>>) target(%arg20 : memref<8x512xf32, #tpu.memory_space<vmem>>) offsets(%dma_start3A_276 : memref<8xi32, #tpu.memory_space<vmem>>) semaphore(%arg21 : memref<!tpu.dma_semaphore, #tpu.memory_space<semaphore_mem>>)
    %dma_wait3A_280 = arith.constant 24 : i32
    %dma_wait3A_281 = tpu.memref_slice %arg19[%dma_wait3A_280] : memref<64xi32, #tpu.memory_space<vmem>> -> memref<8xi32, #tpu.memory_space<vmem>>
    %dma_wait3A_282 = arith.constant 0 : i32
    %dma_wait3A_283 = arith.constant 0 : i32
    %dma_wait3A_284 = tpu.memref_slice %arg4[%dma_wait3A_282, %dma_wait3A_283] : memref<1000x512xf32, #tpu.memory_space<hbm>> -> memref<1000x512xf32, #tpu.memory_space<hbm>>
    tpu.wait_indirect_dma semaphore(%arg21 : memref<!tpu.dma_semaphore, #tpu.memory_space<semaphore_mem>>) src(%dma_wait3A_284 : memref<1000x512xf32, #tpu.memory_space<hbm>>) dst(%arg20 : memref<8x512xf32, #tpu.memory_space<vmem>>)
    %add3A_285 = arith.constant 24 : i32
    %add3A_286 = arith.addi %add3A_238, %add3A_285 : i32
    "tpu.region"() ({
      %run_scoped3A = tpu.sem_alloc : memref<!tpu.dma_semaphore, #tpu.memory_space<semaphore_mem>>
      %dma_start3A_335 = arith.constant 0 : i32
      %dma_start3A_336 = tpu.memref_slice %arg12[%add3A_286, %dma_start3A_335] : memref<4096x512xf32, #tpu.memory_space<hbm>> -> memref<8x512xf32, #tpu.memory_space<hbm>>
      %dma_start3A_337 = arith.constant 0 : i32
      %dma_start3A_338 = tpu.memref_slice %arg12[%add3A_286, %dma_start3A_337] : memref<4096x512xf32, #tpu.memory_space<hbm>> -> memref<8x512xf32, #tpu.memory_space<hbm>>
      tpu.enqueue_dma source(%arg20 : memref<8x512xf32, #tpu.memory_space<vmem>>) target(%dma_start3A_338 : memref<8x512xf32, #tpu.memory_space<hbm>>) target_semaphore(%run_scoped3A : memref<!tpu.dma_semaphore, #tpu.memory_space<semaphore_mem>>)
      %dma_wait3A_339 = arith.constant 0 : i32
      %dma_wait3A_340 = tpu.memref_slice %arg12[%add3A_286, %dma_wait3A_339] : memref<4096x512xf32, #tpu.memory_space<hbm>> -> memref<8x512xf32, #tpu.memory_space<hbm>>
      %dma_wait3A_341 = arith.constant 0 : i32
      %dma_wait3A_342 = tpu.memref_slice %arg12[%add3A_286, %dma_wait3A_341] : memref<4096x512xf32, #tpu.memory_space<hbm>> -> memref<8x512xf32, #tpu.memory_space<hbm>>
      tpu.wait_dma2 semaphore(%run_scoped3A : memref<!tpu.dma_semaphore, #tpu.memory_space<semaphore_mem>>) src(%arg20 : memref<8x512xf32, #tpu.memory_space<vmem>>) dst(%dma_wait3A_342 : memref<8x512xf32, #tpu.memory_space<hbm>>)
      tpu.yield
    }) : () -> ()
    %dma_start3A_287 = arith.constant 32 : i32
    %dma_start3A_288 = tpu.memref_slice %arg19[%dma_start3A_287] : memref<64xi32, #tpu.memory_space<vmem>> -> memref<8xi32, #tpu.memory_space<vmem>>
    %dma_start3A_289 = arith.constant 0 : i32
    %dma_start3A_290 = arith.constant 0 : i32
    %dma_start3A_291 = tpu.memref_slice %arg4[%dma_start3A_289, %dma_start3A_290] : memref<1000x512xf32, #tpu.memory_space<hbm>> -> memref<1000x512xf32, #tpu.memory_space<hbm>>
    tpu.enqueue_indirect_dma source(%dma_start3A_291 : memref<1000x512xf32, #tpu.memory_space<hbm>>) target(%arg20 : memref<8x512xf32, #tpu.memory_space<vmem>>) offsets(%dma_start3A_288 : memref<8xi32, #tpu.memory_space<vmem>>) semaphore(%arg21 : memref<!tpu.dma_semaphore, #tpu.memory_space<semaphore_mem>>)
    %dma_wait3A_292 = arith.constant 32 : i32
    %dma_wait3A_293 = tpu.memref_slice %arg19[%dma_wait3A_292] : memref<64xi32, #tpu.memory_space<vmem>> -> memref<8xi32, #tpu.memory_space<vmem>>
    %dma_wait3A_294 = arith.constant 0 : i32
    %dma_wait3A_295 = arith.constant 0 : i32
    %dma_wait3A_296 = tpu.memref_slice %arg4[%dma_wait3A_294, %dma_wait3A_295] : memref<1000x512xf32, #tpu.memory_space<hbm>> -> memref<1000x512xf32, #tpu.memory_space<hbm>>
    tpu.wait_indirect_dma semaphore(%arg21 : memref<!tpu.dma_semaphore, #tpu.memory_space<semaphore_mem>>) src(%dma_wait3A_296 : memref<1000x512xf32, #tpu.memory_space<hbm>>) dst(%arg20 : memref<8x512xf32, #tpu.memory_space<vmem>>)
    %add3A_297 = arith.constant 32 : i32
    %add3A_298 = arith.addi %add3A_238, %add3A_297 : i32
    "tpu.region"() ({
      %run_scoped3A = tpu.sem_alloc : memref<!tpu.dma_semaphore, #tpu.memory_space<semaphore_mem>>
      %dma_start3A_335 = arith.constant 0 : i32
      %dma_start3A_336 = tpu.memref_slice %arg12[%add3A_298, %dma_start3A_335] : memref<4096x512xf32, #tpu.memory_space<hbm>> -> memref<8x512xf32, #tpu.memory_space<hbm>>
      %dma_start3A_337 = arith.constant 0 : i32
      %dma_start3A_338 = tpu.memref_slice %arg12[%add3A_298, %dma_start3A_337] : memref<4096x512xf32, #tpu.memory_space<hbm>> -> memref<8x512xf32, #tpu.memory_space<hbm>>
      tpu.enqueue_dma source(%arg20 : memref<8x512xf32, #tpu.memory_space<vmem>>) target(%dma_start3A_338 : memref<8x512xf32, #tpu.memory_space<hbm>>) target_semaphore(%run_scoped3A : memref<!tpu.dma_semaphore, #tpu.memory_space<semaphore_mem>>)
      %dma_wait3A_339 = arith.constant 0 : i32
      %dma_wait3A_340 = tpu.memref_slice %arg12[%add3A_298, %dma_wait3A_339] : memref<4096x512xf32, #tpu.memory_space<hbm>> -> memref<8x512xf32, #tpu.memory_space<hbm>>
      %dma_wait3A_341 = arith.constant 0 : i32
      %dma_wait3A_342 = tpu.memref_slice %arg12[%add3A_298, %dma_wait3A_341] : memref<4096x512xf32, #tpu.memory_space<hbm>> -> memref<8x512xf32, #tpu.memory_space<hbm>>
      tpu.wait_dma2 semaphore(%run_scoped3A : memref<!tpu.dma_semaphore, #tpu.memory_space<semaphore_mem>>) src(%arg20 : memref<8x512xf32, #tpu.memory_space<vmem>>) dst(%dma_wait3A_342 : memref<8x512xf32, #tpu.memory_space<hbm>>)
      tpu.yield
    }) : () -> ()
    %dma_start3A_299 = arith.constant 40 : i32
    %dma_start3A_300 = tpu.memref_slice %arg19[%dma_start3A_299] : memref<64xi32, #tpu.memory_space<vmem>> -> memref<8xi32, #tpu.memory_space<vmem>>
    %dma_start3A_301 = arith.constant 0 : i32
    %dma_start3A_302 = arith.constant 0 : i32
    %dma_start3A_303 = tpu.memref_slice %arg4[%dma_start3A_301, %dma_start3A_302] : memref<1000x512xf32, #tpu.memory_space<hbm>> -> memref<1000x512xf32, #tpu.memory_space<hbm>>
    tpu.enqueue_indirect_dma source(%dma_start3A_303 : memref<1000x512xf32, #tpu.memory_space<hbm>>) target(%arg20 : memref<8x512xf32, #tpu.memory_space<vmem>>) offsets(%dma_start3A_300 : memref<8xi32, #tpu.memory_space<vmem>>) semaphore(%arg21 : memref<!tpu.dma_semaphore, #tpu.memory_space<semaphore_mem>>)
    %dma_wait3A_304 = arith.constant 40 : i32
    %dma_wait3A_305 = tpu.memref_slice %arg19[%dma_wait3A_304] : memref<64xi32, #tpu.memory_space<vmem>> -> memref<8xi32, #tpu.memory_space<vmem>>
    %dma_wait3A_306 = arith.constant 0 : i32
    %dma_wait3A_307 = arith.constant 0 : i32
    %dma_wait3A_308 = tpu.memref_slice %arg4[%dma_wait3A_306, %dma_wait3A_307] : memref<1000x512xf32, #tpu.memory_space<hbm>> -> memref<1000x512xf32, #tpu.memory_space<hbm>>
    tpu.wait_indirect_dma semaphore(%arg21 : memref<!tpu.dma_semaphore, #tpu.memory_space<semaphore_mem>>) src(%dma_wait3A_308 : memref<1000x512xf32, #tpu.memory_space<hbm>>) dst(%arg20 : memref<8x512xf32, #tpu.memory_space<vmem>>)
    %add3A_309 = arith.constant 40 : i32
    %add3A_310 = arith.addi %add3A_238, %add3A_309 : i32
    "tpu.region"() ({
      %run_scoped3A = tpu.sem_alloc : memref<!tpu.dma_semaphore, #tpu.memory_space<semaphore_mem>>
      %dma_start3A_335 = arith.constant 0 : i32
      %dma_start3A_336 = tpu.memref_slice %arg12[%add3A_310, %dma_start3A_335] : memref<4096x512xf32, #tpu.memory_space<hbm>> -> memref<8x512xf32, #tpu.memory_space<hbm>>
      %dma_start3A_337 = arith.constant 0 : i32
      %dma_start3A_338 = tpu.memref_slice %arg12[%add3A_310, %dma_start3A_337] : memref<4096x512xf32, #tpu.memory_space<hbm>> -> memref<8x512xf32, #tpu.memory_space<hbm>>
      tpu.enqueue_dma source(%arg20 : memref<8x512xf32, #tpu.memory_space<vmem>>) target(%dma_start3A_338 : memref<8x512xf32, #tpu.memory_space<hbm>>) target_semaphore(%run_scoped3A : memref<!tpu.dma_semaphore, #tpu.memory_space<semaphore_mem>>)
      %dma_wait3A_339 = arith.constant 0 : i32
      %dma_wait3A_340 = tpu.memref_slice %arg12[%add3A_310, %dma_wait3A_339] : memref<4096x512xf32, #tpu.memory_space<hbm>> -> memref<8x512xf32, #tpu.memory_space<hbm>>
      %dma_wait3A_341 = arith.constant 0 : i32
      %dma_wait3A_342 = tpu.memref_slice %arg12[%add3A_310, %dma_wait3A_341] : memref<4096x512xf32, #tpu.memory_space<hbm>> -> memref<8x512xf32, #tpu.memory_space<hbm>>
      tpu.wait_dma2 semaphore(%run_scoped3A : memref<!tpu.dma_semaphore, #tpu.memory_space<semaphore_mem>>) src(%arg20 : memref<8x512xf32, #tpu.memory_space<vmem>>) dst(%dma_wait3A_342 : memref<8x512xf32, #tpu.memory_space<hbm>>)
      tpu.yield
    }) : () -> ()
    %dma_start3A_311 = arith.constant 48 : i32
    %dma_start3A_312 = tpu.memref_slice %arg19[%dma_start3A_311] : memref<64xi32, #tpu.memory_space<vmem>> -> memref<8xi32, #tpu.memory_space<vmem>>
    %dma_start3A_313 = arith.constant 0 : i32
    %dma_start3A_314 = arith.constant 0 : i32
    %dma_start3A_315 = tpu.memref_slice %arg4[%dma_start3A_313, %dma_start3A_314] : memref<1000x512xf32, #tpu.memory_space<hbm>> -> memref<1000x512xf32, #tpu.memory_space<hbm>>
    tpu.enqueue_indirect_dma source(%dma_start3A_315 : memref<1000x512xf32, #tpu.memory_space<hbm>>) target(%arg20 : memref<8x512xf32, #tpu.memory_space<vmem>>) offsets(%dma_start3A_312 : memref<8xi32, #tpu.memory_space<vmem>>) semaphore(%arg21 : memref<!tpu.dma_semaphore, #tpu.memory_space<semaphore_mem>>)
    %dma_wait3A_316 = arith.constant 48 : i32
    %dma_wait3A_317 = tpu.memref_slice %arg19[%dma_wait3A_316] : memref<64xi32, #tpu.memory_space<vmem>> -> memref<8xi32, #tpu.memory_space<vmem>>
    %dma_wait3A_318 = arith.constant 0 : i32
    %dma_wait3A_319 = arith.constant 0 : i32
    %dma_wait3A_320 = tpu.memref_slice %arg4[%dma_wait3A_318, %dma_wait3A_319] : memref<1000x512xf32, #tpu.memory_space<hbm>> -> memref<1000x512xf32, #tpu.memory_space<hbm>>
    tpu.wait_indirect_dma semaphore(%arg21 : memref<!tpu.dma_semaphore, #tpu.memory_space<semaphore_mem>>) src(%dma_wait3A_320 : memref<1000x512xf32, #tpu.memory_space<hbm>>) dst(%arg20 : memref<8x512xf32, #tpu.memory_space<vmem>>)
    %add3A_321 = arith.constant 48 : i32
    %add3A_322 = arith.addi %add3A_238, %add3A_321 : i32
    "tpu.region"() ({
      %run_scoped3A = tpu.sem_alloc : memref<!tpu.dma_semaphore, #tpu.memory_space<semaphore_mem>>
      %dma_start3A_335 = arith.constant 0 : i32
      %dma_start3A_336 = tpu.memref_slice %arg12[%add3A_322, %dma_start3A_335] : memref<4096x512xf32, #tpu.memory_space<hbm>> -> memref<8x512xf32, #tpu.memory_space<hbm>>
      %dma_start3A_337 = arith.constant 0 : i32
      %dma_start3A_338 = tpu.memref_slice %arg12[%add3A_322, %dma_start3A_337] : memref<4096x512xf32, #tpu.memory_space<hbm>> -> memref<8x512xf32, #tpu.memory_space<hbm>>
      tpu.enqueue_dma source(%arg20 : memref<8x512xf32, #tpu.memory_space<vmem>>) target(%dma_start3A_338 : memref<8x512xf32, #tpu.memory_space<hbm>>) target_semaphore(%run_scoped3A : memref<!tpu.dma_semaphore, #tpu.memory_space<semaphore_mem>>)
      %dma_wait3A_339 = arith.constant 0 : i32
      %dma_wait3A_340 = tpu.memref_slice %arg12[%add3A_322, %dma_wait3A_339] : memref<4096x512xf32, #tpu.memory_space<hbm>> -> memref<8x512xf32, #tpu.memory_space<hbm>>
      %dma_wait3A_341 = arith.constant 0 : i32
      %dma_wait3A_342 = tpu.memref_slice %arg12[%add3A_322, %dma_wait3A_341] : memref<4096x512xf32, #tpu.memory_space<hbm>> -> memref<8x512xf32, #tpu.memory_space<hbm>>
      tpu.wait_dma2 semaphore(%run_scoped3A : memref<!tpu.dma_semaphore, #tpu.memory_space<semaphore_mem>>) src(%arg20 : memref<8x512xf32, #tpu.memory_space<vmem>>) dst(%dma_wait3A_342 : memref<8x512xf32, #tpu.memory_space<hbm>>)
      tpu.yield
    }) : () -> ()
    %dma_start3A_323 = arith.constant 56 : i32
    %dma_start3A_324 = tpu.memref_slice %arg19[%dma_start3A_323] : memref<64xi32, #tpu.memory_space<vmem>> -> memref<8xi32, #tpu.memory_space<vmem>>
    %dma_start3A_325 = arith.constant 0 : i32
    %dma_start3A_326 = arith.constant 0 : i32
    %dma_start3A_327 = tpu.memref_slice %arg4[%dma_start3A_325, %dma_start3A_326] : memref<1000x512xf32, #tpu.memory_space<hbm>> -> memref<1000x512xf32, #tpu.memory_space<hbm>>
    tpu.enqueue_indirect_dma source(%dma_start3A_327 : memref<1000x512xf32, #tpu.memory_space<hbm>>) target(%arg20 : memref<8x512xf32, #tpu.memory_space<vmem>>) offsets(%dma_start3A_324 : memref<8xi32, #tpu.memory_space<vmem>>) semaphore(%arg21 : memref<!tpu.dma_semaphore, #tpu.memory_space<semaphore_mem>>)
    %dma_wait3A_328 = arith.constant 56 : i32
    %dma_wait3A_329 = tpu.memref_slice %arg19[%dma_wait3A_328] : memref<64xi32, #tpu.memory_space<vmem>> -> memref<8xi32, #tpu.memory_space<vmem>>
    %dma_wait3A_330 = arith.constant 0 : i32
    %dma_wait3A_331 = arith.constant 0 : i32
    %dma_wait3A_332 = tpu.memref_slice %arg4[%dma_wait3A_330, %dma_wait3A_331] : memref<1000x512xf32, #tpu.memory_space<hbm>> -> memref<1000x512xf32, #tpu.memory_space<hbm>>
    tpu.wait_indirect_dma semaphore(%arg21 : memref<!tpu.dma_semaphore, #tpu.memory_space<semaphore_mem>>) src(%dma_wait3A_332 : memref<1000x512xf32, #tpu.memory_space<hbm>>) dst(%arg20 : memref<8x512xf32, #tpu.memory_space<vmem>>)
    %add3A_333 = arith.constant 56 : i32
    %add3A_334 = arith.addi %add3A_238, %add3A_333 : i32
    "tpu.region"() ({
      %run_scoped3A = tpu.sem_alloc : memref<!tpu.dma_semaphore, #tpu.memory_space<semaphore_mem>>
      %dma_start3A_335 = arith.constant 0 : i32
      %dma_start3A_336 = tpu.memref_slice %arg12[%add3A_334, %dma_start3A_335] : memref<4096x512xf32, #tpu.memory_space<hbm>> -> memref<8x512xf32, #tpu.memory_space<hbm>>
      %dma_start3A_337 = arith.constant 0 : i32
      %dma_start3A_338 = tpu.memref_slice %arg12[%add3A_334, %dma_start3A_337] : memref<4096x512xf32, #tpu.memory_space<hbm>> -> memref<8x512xf32, #tpu.memory_space<hbm>>
      tpu.enqueue_dma source(%arg20 : memref<8x512xf32, #tpu.memory_space<vmem>>) target(%dma_start3A_338 : memref<8x512xf32, #tpu.memory_space<hbm>>) target_semaphore(%run_scoped3A : memref<!tpu.dma_semaphore, #tpu.memory_space<semaphore_mem>>)
      %dma_wait3A_339 = arith.constant 0 : i32
      %dma_wait3A_340 = tpu.memref_slice %arg12[%add3A_334, %dma_wait3A_339] : memref<4096x512xf32, #tpu.memory_space<hbm>> -> memref<8x512xf32, #tpu.memory_space<hbm>>
      %dma_wait3A_341 = arith.constant 0 : i32
      %dma_wait3A_342 = tpu.memref_slice %arg12[%add3A_334, %dma_wait3A_341] : memref<4096x512xf32, #tpu.memory_space<hbm>> -> memref<8x512xf32, #tpu.memory_space<hbm>>
      tpu.wait_dma2 semaphore(%run_scoped3A : memref<!tpu.dma_semaphore, #tpu.memory_space<semaphore_mem>>) src(%arg20 : memref<8x512xf32, #tpu.memory_space<vmem>>) dst(%dma_wait3A_342 : memref<8x512xf32, #tpu.memory_space<hbm>>)
      tpu.yield
    }) : () -> ()
    return
  }
}

module attributes {stable_mosaic.version = 14 : i64} {
  func.func @body(%arg0: i32, %arg1: memref<2000x128xf32, #tpu.memory_space<vmem>>, %arg2: memref<2000x128xf32, #tpu.memory_space<vmem>>, %arg3: memref<2000x128xi32, #tpu.memory_space<vmem>>) attributes {dimension_semantics = [#tpu.dimension_semantics<arbitrary>], iteration_bounds = array<i64: 50>, scalar_prefetch = 0 : i64, scratch_operands = 0 : i64, tpu.core_type = #tpu.core_type<tc>, window_params = [{transform_indices = @transform_0, window_bounds = array<i64: 2000, 128>}, {transform_indices = @transform_1, window_bounds = array<i64: 2000, 128>}, {transform_indices = @transform_2, window_bounds = array<i64: 2000, 128>}]} {
    %get3A = arith.constant 0 : index
    %get3A_0 = arith.constant 0 : index
    %get3A_1 = vector.load %arg1[%get3A, %get3A_0] : memref<2000x128xf32, #tpu.memory_space<vmem>>, vector<2000x128xf32>
    %convert_element_type3A = arith.truncf %get3A_1 : vector<2000x128xf32> to vector<2000x128xbf16>
    %convert_element_type3A_2 = arith.extf %convert_element_type3A : vector<2000x128xbf16> to vector<2000x128xf32>
    %bitcast_convert_type3A = tpu.bitcast %convert_element_type3A_2 : vector<2000x128xf32> -> vector<2000x128xi32>
    %get3A_3 = arith.constant 0 : index
    %get3A_4 = arith.constant 0 : index
    %get3A_5 = vector.load %arg2[%get3A_3, %get3A_4] : memref<2000x128xf32, #tpu.memory_space<vmem>>, vector<2000x128xf32>
    %mul3A = arith.constant 7.73315096 : f32
    %mul3A_6 = vector.broadcast %mul3A : f32 to vector<2000x128xf32>
    %mul3A_7 = arith.mulf %get3A_5, %mul3A_6 : vector<2000x128xf32>
    %convert_element_type3A_8 = arith.truncf %mul3A_7 : vector<2000x128xf32> to vector<2000x128xbf16>
    %convert_element_type3A_9 = arith.extf %convert_element_type3A_8 : vector<2000x128xbf16> to vector<2000x128xf32>
    %bitcast_convert_type3A_10 = tpu.bitcast %convert_element_type3A_9 : vector<2000x128xf32> -> vector<2000x128xi32>
    %shift_right_logical3A = arith.constant 16 : i32
    %shift_right_logical3A_11 = vector.broadcast %shift_right_logical3A : i32 to vector<2000x128xi32>
    %shift_right_logical3A_12 = arith.shrui %bitcast_convert_type3A, %shift_right_logical3A_11 : vector<2000x128xi32>
    %or3A = arith.ori %bitcast_convert_type3A_10, %shift_right_logical3A_12 : vector<2000x128xi32>
    %bitcast_convert_type3A_13 = tpu.bitcast %or3A : vector<2000x128xi32> -> vector<2000x128xi32>
    %swap3A = arith.constant 0 : index
    %swap3A_14 = arith.constant 0 : index
    %swap3A_15 = vector.load %arg3[%swap3A, %swap3A_14] : memref<2000x128xi32, #tpu.memory_space<vmem>>, vector<2000x128xi32>
    tpu.vector_store %arg3[%swap3A, %swap3A_14], %bitcast_convert_type3A_13 {strides = array<i32>} : memref<2000x128xi32, #tpu.memory_space<vmem>>, vector<2000x128xi32>,
    return
  }
  func.func @transform_0(%arg0: i32) -> (i32, i32) {
    %c0_i32 = arith.constant 0 : i32
    %c0_i32_0 = arith.constant 0 : i32
    return %arg0, %c0_i32 : i32, i32
  }
  func.func @transform_1(%arg0: i32) -> (i32, i32) {
    %c0_i32 = arith.constant 0 : i32
    %c0_i32_0 = arith.constant 0 : i32
    return %arg0, %c0_i32 : i32, i32
  }
  func.func @transform_2(%arg0: i32) -> (i32, i32) {
    %c0_i32 = arith.constant 0 : i32
    %c0_i32_0 = arith.constant 0 : i32
    return %arg0, %c0_i32 : i32, i32
  }
}

module attributes {stable_mosaic.version = 14 : i64} {
  func.func @body(%arg0: memref<1000x128xf32, #tpu.memory_space<vmem>>, %arg1: memref<1000x128xf32, #tpu.memory_space<vmem>>, %arg2: memref<1000x128xf32, #tpu.memory_space<vmem>>, %arg3: memref<1000x1xf32, #tpu.memory_space<vmem>>, %arg4: memref<1000x512xf32, #tpu.memory_space<vmem>>) attributes {dimension_semantics = [], scalar_prefetch = 0 : i64, scratch_operands = 0 : i64, tpu.core_type = #tpu.core_type<tc>} {
    %get3A = arith.constant 0 : index
    %get3A_0 = arith.constant 0 : index
    %get3A_1 = vector.load %arg0[%get3A, %get3A_0] : memref<1000x128xf32, #tpu.memory_space<vmem>>, vector<1000x128xf32>
    %swap3A = arith.constant 0 : index
    %swap3A_2 = arith.constant 0 : index
    %swap3A_3 = vector.load %arg4[%swap3A, %swap3A_2] : memref<1000x512xf32, #tpu.memory_space<vmem>>, vector<1000x128xf32>
    tpu.vector_store %arg4[%swap3A, %swap3A_2], %get3A_1 {strides = array<i32>} : memref<1000x512xf32, #tpu.memory_space<vmem>>, vector<1000x128xf32>,
    %get3A_4 = arith.constant 0 : index
    %get3A_5 = arith.constant 0 : index
    %get3A_6 = vector.load %arg1[%get3A_4, %get3A_5] : memref<1000x128xf32, #tpu.memory_space<vmem>>, vector<1000x128xf32>
    %swap3A_7 = arith.constant 0 : index
    %swap3A_8 = arith.constant 128 : index
    %swap3A_9 = vector.load %arg4[%swap3A_7, %swap3A_8] : memref<1000x512xf32, #tpu.memory_space<vmem>>, vector<1000x128xf32>
    tpu.vector_store %arg4[%swap3A_7, %swap3A_8], %get3A_6 {strides = array<i32>} : memref<1000x512xf32, #tpu.memory_space<vmem>>, vector<1000x128xf32>,
    %get3A_10 = arith.constant 0 : index
    %get3A_11 = arith.constant 0 : index
    %get3A_12 = vector.load %arg2[%get3A_10, %get3A_11] : memref<1000x128xf32, #tpu.memory_space<vmem>>, vector<1000x128xf32>
    %mul3A = arith.constant 7.73315096 : f32
    %mul3A_13 = vector.broadcast %mul3A : f32 to vector<1000x128xf32>
    %mul3A_14 = arith.mulf %get3A_12, %mul3A_13 : vector<1000x128xf32>
    %swap3A_15 = arith.constant 0 : index
    %swap3A_16 = arith.constant 256 : index
    %swap3A_17 = vector.load %arg4[%swap3A_15, %swap3A_16] : memref<1000x512xf32, #tpu.memory_space<vmem>>, vector<1000x128xf32>
    tpu.vector_store %arg4[%swap3A_15, %swap3A_16], %mul3A_14 {strides = array<i32>} : memref<1000x512xf32, #tpu.memory_space<vmem>>, vector<1000x128xf32>,
    %get3A_18 = arith.constant 0 : index
    %get3A_19 = arith.constant 0 : index
    %get3A_20 = vector.load %arg3[%get3A_18, %get3A_19] : memref<1000x1xf32, #tpu.memory_space<vmem>>, vector<1000x1xf32>
    %broadcast_in_dim3A = vector.shape_cast %get3A_20 : vector<1000x1xf32> to vector<1000x1xf32>
    %broadcast_in_dim3A_21 = vector.broadcast %broadcast_in_dim3A : vector<1000x1xf32> to vector<1000x128xf32>
    %swap3A_22 = arith.constant 0 : index
    %swap3A_23 = arith.constant 384 : index
    %swap3A_24 = vector.load %arg4[%swap3A_22, %swap3A_23] : memref<1000x512xf32, #tpu.memory_space<vmem>>, vector<1000x128xf32>
    tpu.vector_store %arg4[%swap3A_22, %swap3A_23], %broadcast_in_dim3A_21 {strides = array<i32>} : memref<1000x512xf32, #tpu.memory_space<vmem>>, vector<1000x128xf32>,
    return
  }
}

module attributes {stable_mosaic.version = 14 : i64} {
  func.func @body(%arg0: i32, %arg1: memref<1x1xf32, #tpu.memory_space<smem>>, %arg2: memref<1x1xf32, #tpu.memory_space<smem>>, %arg3: memref<128x128xi32, #tpu.memory_space<vmem>>, %arg4: memref<128x1xf32, #tpu.memory_space<vmem>>, %arg5: memref<128x512xf32, #tpu.memory_space<vmem>>, %arg6: memref<128x64x128xi32, #tpu.memory_space<vmem>>, %arg7: memref<128x64xf32, #tpu.memory_space<vmem>>, %arg8: memref<128x64xf32, #tpu.memory_space<vmem>>) attributes {dimension_semantics = [#tpu.dimension_semantics<arbitrary>], iteration_bounds = array<i64: 32>, scalar_prefetch = 0 : i64, scratch_operands = 0 : i64, tpu.core_type = #tpu.core_type<tc>, window_params = [{transform_indices = @transform_0, window_bounds = array<i64: 1, 1>}, {transform_indices = @transform_1, window_bounds = array<i64: 1, 1>}, {transform_indices = @transform_2, window_bounds = array<i64: 128, 128>}, {transform_indices = @transform_3, window_bounds = array<i64: 128, 1>}, {transform_indices = @transform_4, window_bounds = array<i64: 128, 512>}, {transform_indices = @transform_5, window_bounds = array<i64: 128, 64, 128>}, {transform_indices = @transform_6, window_bounds = array<i64: 128, 64>}, {transform_indices = @transform_7, window_bounds = array<i64: 128, 64>}]} {
    %get3A = arith.constant 0 : index
    %get3A_0 = arith.constant 0 : index
    %get3A_1 = memref.load %arg1[%get3A, %get3A_0] : memref<1x1xf32, #tpu.memory_space<smem>>
    %get3A_2 = arith.constant 0 : index
    %get3A_3 = arith.constant 0 : index
    %get3A_4 = memref.load %arg2[%get3A_2, %get3A_3] : memref<1x1xf32, #tpu.memory_space<smem>>
    %get3A_5 = arith.constant 0 : index
    %get3A_6 = arith.constant 0 : index
    %get3A_7 = vector.load %arg3[%get3A_5, %get3A_6] : memref<128x128xi32, #tpu.memory_space<vmem>>, vector<128x128xi32>
    %bitcast_convert_type3A = tpu.bitcast %get3A_7 : vector<128x128xi32> -> vector<128x128xi32>
    %shift_left3A = arith.constant 16 : i32
    %shift_left3A_8 = vector.broadcast %shift_left3A : i32 to vector<128x128xi32>
    %shift_left3A_9 = arith.shli %bitcast_convert_type3A, %shift_left3A_8 : vector<128x128xi32>
    %bitcast_convert_type3A_10 = tpu.bitcast %shift_left3A_9 : vector<128x128xi32> -> vector<128x128xf32>
    %and3A = arith.constant -65536 : i32
    %and3A_11 = vector.broadcast %and3A : i32 to vector<128x128xi32>
    %and3A_12 = arith.andi %bitcast_convert_type3A, %and3A_11 : vector<128x128xi32>
    %bitcast_convert_type3A_13 = tpu.bitcast %and3A_12 : vector<128x128xi32> -> vector<128x128xf32>
    %get3A_14 = arith.constant 0 : index
    %get3A_15 = arith.constant 0 : index
    %get3A_16 = vector.load %arg5[%get3A_14, %get3A_15] : memref<128x512xf32, #tpu.memory_space<vmem>>, vector<128x512xf32>
    %slice3A = vector.extract_strided_slice %get3A_16 {offsets = [0, 0], sizes = [128, 128], strides = [1, 1]} : vector<128x512xf32> to vector<128x128xf32>
    %abs3A = math.absf %slice3A : vector<128x128xf32>
    %slice3A_17 = vector.extract_strided_slice %get3A_16 {offsets = [0, 128], sizes = [128, 128], strides = [1, 1]} : vector<128x512xf32> to vector<128x128xf32>
    %min3A = arith.constant 1.000000e+00 : f32
    %min3A_18 = vector.broadcast %min3A : f32 to vector<128x128xf32>
    %min3A_19 = arith.minimumf %slice3A_17, %min3A_18 : vector<128x128xf32>
    %neg3A = arith.constant 0.000000e+00 : f32
    %neg3A_20 = vector.broadcast %neg3A : f32 to vector<128x128xf32>
    %neg3A_21 = arith.subf %neg3A_20, %abs3A : vector<128x128xf32>
    %lt3A = arith.cmpf olt, %min3A_19, %neg3A_21 : vector<128x128xf32>
    %neg3A_22 = arith.constant 0.000000e+00 : f32
    %neg3A_23 = vector.broadcast %neg3A_22 : f32 to vector<128x128xf32>
    %neg3A_24 = arith.subf %neg3A_23, %abs3A : vector<128x128xf32>
    %select_n3A = arith.select %lt3A, %neg3A_24, %min3A_19 : vector<128x128xi1>, vector<128x128xf32>
    %slice3A_25 = vector.extract_strided_slice %get3A_16 {offsets = [0, 256], sizes = [128, 128], strides = [1, 1]} : vector<128x512xf32> to vector<128x128xf32>
    %slice3A_26 = vector.extract_strided_slice %get3A_16 {offsets = [0, 384], sizes = [128, 1], strides = [1, 1]} : vector<128x512xf32> to vector<128x1xf32>
    %add3A = arith.addf %abs3A, %select_n3A : vector<128x128xf32>
    %mul3A = arith.mulf %bitcast_convert_type3A_10, %add3A : vector<128x128xf32>
    %add3A_27 = arith.addf %bitcast_convert_type3A_13, %slice3A_25 : vector<128x128xf32>
    %get3A_28 = arith.constant 0 : index
    %get3A_29 = arith.constant 0 : index
    %get3A_30 = vector.load %arg4[%get3A_28, %get3A_29] : memref<128x1xf32, #tpu.memory_space<vmem>>, vector<128x1xf32>
    %mul3A_31 = arith.constant 4.92307711 : f32
    %mul3A_32 = vector.broadcast %mul3A_31 : f32 to vector<128x1xf32>
    %mul3A_33 = arith.mulf %get3A_30, %mul3A_32 : vector<128x1xf32>
    %abs3A_34 = math.absf %mul3A_33 : vector<128x1xf32>
    %abs3A_35 = math.absf %slice3A_26 : vector<128x1xf32>
    %mul3A_36 = arith.mulf %abs3A_34, %abs3A_35 : vector<128x1xf32>
    %sub3A = arith.constant 1.000000e+00 : f32
    %sub3A_37 = vector.broadcast %sub3A : f32 to vector<128x128xf32>
    %sub3A_38 = arith.subf %sub3A_37, %select_n3A : vector<128x128xf32>
    %get3A_39 = arith.constant 0 : index
    %get3A_40 = arith.constant 0 : index
    %get3A_41 = arith.constant 0 : index
    %get3A_42 = vector.load %arg6[%get3A_39, %get3A_40, %get3A_41] : memref<128x64x128xi32, #tpu.memory_space<vmem>>, vector<128x64x128xi32>
    %bitcast_convert_type3A_43 = tpu.bitcast %get3A_42 : vector<128x64x128xi32> -> vector<128x64x128xi32>
    %shift_left3A_44 = arith.constant 16 : i32
    %shift_left3A_45 = vector.broadcast %shift_left3A_44 : i32 to vector<128x64x128xi32>
    %shift_left3A_46 = arith.shli %bitcast_convert_type3A_43, %shift_left3A_45 : vector<128x64x128xi32>
    %bitcast_convert_type3A_47 = tpu.bitcast %shift_left3A_46 : vector<128x64x128xi32> -> vector<128x64x128xf32>
    %and3A_48 = arith.constant -65536 : i32
    %and3A_49 = vector.broadcast %and3A_48 : i32 to vector<128x64x128xi32>
    %and3A_50 = arith.andi %bitcast_convert_type3A_43, %and3A_49 : vector<128x64x128xi32>
    %bitcast_convert_type3A_51 = tpu.bitcast %and3A_50 : vector<128x64x128xi32> -> vector<128x64x128xf32>
    %broadcast_in_dim3A = vector.shape_cast %mul3A : vector<128x128xf32> to vector<128x1x128xf32>
    %broadcast_in_dim3A_52 = vector.shape_cast %sub3A_38 : vector<128x128xf32> to vector<128x1x128xf32>
    %mul3A_53 = vector.broadcast %broadcast_in_dim3A_52 : vector<128x1x128xf32> to vector<128x64x128xf32>
    %mul3A_54 = arith.mulf %bitcast_convert_type3A_47, %mul3A_53 : vector<128x64x128xf32>
    %sub3A_55 = vector.broadcast %broadcast_in_dim3A : vector<128x1x128xf32> to vector<128x64x128xf32>
    %sub3A_56 = arith.subf %sub3A_55, %mul3A_54 : vector<128x64x128xf32>
    %mul3A_57 = arith.mulf %sub3A_56, %sub3A_56 : vector<128x64x128xf32>
    %reduce_sum3A = arith.constant dense<0.000000e+00> : vector<128x64xf32>
    %reduce_sum3A_58 = vector.multi_reduction <add>, %mul3A_57, %reduce_sum3A [2] : vector<128x64x128xf32> to vector<128x64xf32>
    %sqrt3A = math.sqrt %reduce_sum3A_58 : vector<128x64xf32>
    %broadcast_in_dim3A_59 = vector.shape_cast %add3A_27 : vector<128x128xf32> to vector<128x1x128xf32>
    %sub3A_60 = vector.broadcast %broadcast_in_dim3A_59 : vector<128x1x128xf32> to vector<128x64x128xf32>
    %sub3A_61 = arith.subf %sub3A_60, %bitcast_convert_type3A_51 : vector<128x64x128xf32>
    %mul3A_62 = arith.mulf %sub3A_61, %sub3A_61 : vector<128x64x128xf32>
    %mul3A_63 = arith.constant 1.59572892E-6 : f32
    %mul3A_64 = vector.broadcast %mul3A_63 : f32 to vector<128x64x128xf32>
    %mul3A_65 = arith.mulf %mul3A_64, %mul3A_62 : vector<128x64x128xf32>
    %add3A_66 = arith.constant -1.75829089E-4 : f32
    %add3A_67 = vector.broadcast %add3A_66 : f32 to vector<128x64x128xf32>
    %add3A_68 = arith.addf %mul3A_65, %add3A_67 : vector<128x64x128xf32>
    %mul3A_69 = arith.mulf %add3A_68, %mul3A_62 : vector<128x64x128xf32>
    %add3A_70 = arith.constant 0.00813399907 : f32
    %add3A_71 = vector.broadcast %add3A_70 : f32 to vector<128x64x128xf32>
    %add3A_72 = arith.addf %mul3A_69, %add3A_71 : vector<128x64x128xf32>
    %mul3A_73 = arith.mulf %add3A_72, %mul3A_62 : vector<128x64x128xf32>
    %add3A_74 = arith.constant -0.165942013 : f32
    %add3A_75 = vector.broadcast %add3A_74 : f32 to vector<128x64x128xf32>
    %add3A_76 = arith.addf %mul3A_73, %add3A_75 : vector<128x64x128xf32>
    %mul3A_77 = arith.mulf %add3A_76, %mul3A_62 : vector<128x64x128xf32>
    %add3A_78 = arith.constant 9.992640e-01 : f32
    %add3A_79 = vector.broadcast %add3A_78 : f32 to vector<128x64x128xf32>
    %add3A_80 = arith.addf %mul3A_77, %add3A_79 : vector<128x64x128xf32>
    %mul3A_81 = arith.mulf %sub3A_61, %add3A_80 : vector<128x64x128xf32>
    %abs3A_82 = math.absf %mul3A_81 : vector<128x64x128xf32>
    %reduce_sum3A_83 = arith.constant dense<0.000000e+00> : vector<128x64xf32>
    %reduce_sum3A_84 = vector.multi_reduction <add>, %abs3A_82, %reduce_sum3A_83 [2] : vector<128x64x128xf32> to vector<128x64xf32>
    %get3A_85 = arith.constant 0 : index
    %get3A_86 = arith.constant 0 : index
    %get3A_87 = vector.load %arg7[%get3A_85, %get3A_86] : memref<128x64xf32, #tpu.memory_space<vmem>>, vector<128x64xf32>
    %mul3A_88 = arith.constant 4.92307711 : f32
    %mul3A_89 = vector.broadcast %mul3A_88 : f32 to vector<128x64xf32>
    %mul3A_90 = arith.mulf %get3A_87, %mul3A_89 : vector<128x64xf32>
    %abs3A_91 = math.absf %mul3A_90 : vector<128x64xf32>
    %add3A_92 = vector.broadcast %mul3A_36 : vector<128x1xf32> to vector<128x64xf32>
    %add3A_93 = arith.addf %add3A_92, %abs3A_91 : vector<128x64xf32>
    %abs3A_94 = math.absf %add3A_93 : vector<128x64xf32>
    %mul3A_95 = vector.broadcast %get3A_1 : f32 to vector<128x64xf32>
    %mul3A_96 = arith.mulf %mul3A_95, %sqrt3A : vector<128x64xf32>
    %mul3A_97 = vector.broadcast %get3A_4 : f32 to vector<128x64xf32>
    %mul3A_98 = arith.mulf %mul3A_97, %reduce_sum3A_84 : vector<128x64xf32>
    %add3A_99 = arith.addf %mul3A_96, %mul3A_98 : vector<128x64xf32>
    %mul3A_100 = arith.constant 2.000000e-02 : f32
    %mul3A_101 = vector.broadcast %mul3A_100 : f32 to vector<128x64xf32>
    %mul3A_102 = arith.mulf %mul3A_101, %abs3A_94 : vector<128x64xf32>
    %sub3A_103 = arith.subf %add3A_99, %mul3A_102 : vector<128x64xf32>
    %sub3A_104 = arith.constant 2.400000e+01 : f32
    %sub3A_105 = vector.broadcast %sub3A_104 : f32 to vector<128x64xf32>
    %sub3A_106 = arith.subf %sub3A_105, %sub3A_103 : vector<128x64xf32>
    %swap3A = arith.constant 0 : index
    %swap3A_107 = arith.constant 0 : index
    %swap3A_108 = vector.load %arg8[%swap3A, %swap3A_107] : memref<128x64xf32, #tpu.memory_space<vmem>>, vector<128x64xf32>
    tpu.vector_store %arg8[%swap3A, %swap3A_107], %sub3A_106 {strides = array<i32>} : memref<128x64xf32, #tpu.memory_space<vmem>>, vector<128x64xf32>,
    return
  }
  func.func @transform_0(%arg0: i32) -> (i32, i32) {
    %c0_i32 = arith.constant 0 : i32
    %c0_i32_0 = arith.constant 0 : i32
    %c0_i32_1 = arith.constant 0 : i32
    return %c0_i32, %c0_i32_0 : i32, i32
  }
  func.func @transform_1(%arg0: i32) -> (i32, i32) {
    %c0_i32 = arith.constant 0 : i32
    %c0_i32_0 = arith.constant 0 : i32
    %c0_i32_1 = arith.constant 0 : i32
    return %c0_i32, %c0_i32_0 : i32, i32
  }
  func.func @transform_2(%arg0: i32) -> (i32, i32) {
    %add3A = arith.constant 0 : i32
    %add3A_0 = arith.addi %arg0, %add3A : i32
    %c0_i32 = arith.constant 0 : i32
    %c0_i32_1 = arith.constant 0 : i32
    return %add3A_0, %c0_i32 : i32, i32
  }
  func.func @transform_3(%arg0: i32) -> (i32, i32) {
    %add3A = arith.constant 0 : i32
    %add3A_0 = arith.addi %arg0, %add3A : i32
    %c0_i32 = arith.constant 0 : i32
    %c0_i32_1 = arith.constant 0 : i32
    return %add3A_0, %c0_i32 : i32, i32
  }
  func.func @transform_4(%arg0: i32) -> (i32, i32) {
    %add3A = arith.constant 0 : i32
    %add3A_0 = arith.addi %arg0, %add3A : i32
    %c0_i32 = arith.constant 0 : i32
    %c0_i32_1 = arith.constant 0 : i32
    return %add3A_0, %c0_i32 : i32, i32
  }
  func.func @transform_5(%arg0: i32) -> (i32, i32, i32) {
    %c0_i32 = arith.constant 0 : i32
    %c0_i32_0 = arith.constant 0 : i32
    %c0_i32_1 = arith.constant 0 : i32
    return %arg0, %c0_i32, %c0_i32_0 : i32, i32, i32
  }
  func.func @transform_6(%arg0: i32) -> (i32, i32) {
    %c0_i32 = arith.constant 0 : i32
    %c0_i32_0 = arith.constant 0 : i32
    return %arg0, %c0_i32 : i32, i32
  }
  func.func @transform_7(%arg0: i32) -> (i32, i32) {
    %c0_i32 = arith.constant 0 : i32
    %c0_i32_0 = arith.constant 0 : i32
    return %arg0, %c0_i32 : i32, i32
  }
}

</mosaic_0001>

<sc_bundles>
// kernel: kernel.6.cloned.1.call-start
scs
__scs_entry_jumppad:
0x0: {  	(pc) =	sbr.rel $0x88, $3  }
0x1: {  	(tag) =	ssettag $0x0;
	lr =	simm.s32 $0x1  }
0x2: {  	[smem:$0x3F95] =	sst lr;
	_ =	strace $0xD0000000  }
0x3: {  	_ = 	snop  }
0x4: {  	_ = 	snop  }
0x5: {  	_ = 	snop  }
0x6: {  	_ = 	snop  }
0x7: {  	_ = 	snop  }
__scs_overlays_trampoline_lowered:
0x8: {  	[smem:$0x3FA4] =	sst s0  }
0x9: {  	[smem:$0x3FA5] =	sst s1  }
0xa: {  	[smem:$0x3FA6] =	sst s2  }
0xb: {  	[smem:$0x3FA7] =	sst s3  }
0xc: {  	[smem:$0x3FA8] =	sst s4  }
0xd: {  	[smem:$0x3FA9] =	sst s5  }
0xe: {  	[smem:$0x3FAA] =	sst s6  }
0xf: {  	[smem:$0x3FAB] =	sst s7  }
0x10: {  	[smem:$0x3FAC] =	sst s8  }
0x11: {  	[smem:$0x3FAD] =	sst s9;
	s0 =	simm.s32 @!p0 $0x0  }
0x12: {  	s1 =	sld [smem:$0x3F93];
	s0 =	simm.s32 @p0 $0x1  }
0x13: {  	[smem:$0x3FAE] =	sst s0;
	s0 =	simm.s32 @!p1 $0x0  }
0x14: {  	s2 =	sld [smem:$0x3F92];
	s0 =	simm.s32 @p1 $0x1  }
0x15: {  	[smem:$0x3FAF] =	sst s0;
	s0 =	simm.s32 @!p2 $0x0  }
0x16: {  	s3 =	sld [smem:$0x3FDB];
	s0 =	simm.s32 @p2 $0x1  }
0x17: {  	s4 =	simm.s32 $0x1BF5;
	[smem:$0x3FB1] =	sst s0  }
0x18: {  	s0 =	sld [smem:$0x3F94];
	_ =	swait.ge [sflag:s4], $0x0  }
0x19: {  	s7 =	sld [smem:$0x3F95]  }
0x1a: {  	s8 =	sadd.s32 $0xFFFFE003, lr  }
0x1b: {  	s9 =	sadd.s32 $0xFFFFFEF7, lr;
	s5 =	simm.s32 $0xFFFFFFFF;
	p2 =	slt.u32 s8, $0xFFFFF086  }
0x1c: {  	p1 =	slt.u32 s9, $0xF7A;
	s5 =	simm.s32 @!p2 $0x0  }
0x1d: {  	s5 =	simm.s32 @p1 $0x1;
	p0 =	seq.s32 s7, s2  }
0x1e: {  	s7 =	smul.u32 @!p0 $0xF7A, s2;
	p2 =	seq.s32 @!p0 s5, $0x0  }
0x1f: {  	s9 =	smul.u32 $0xF7A, s1;
	s8 =	simm.s32 @!p0 $0x1BF5;
	p2 =	por !p2, p0  }
0x20: {  	[sflag:s8] =	ssyncset.s32 @!p0 $0xFFFFF086;
	s6 =	sadd.s32 @!p0 s3, s7;
	s7 =	simm.s32 @!p0 $0x108  }
0x21: {  	s3 =	sadd.s32 s3, s9;
	s6 =	sadd.s32 @!p0 $0x88, s6;
	s7 =	simm.s32 @p2 $0x1082  }
0x22: {  	[simem:s7], [sflag:s8] =	dma.local @!p0 [hbm:s6], $0xF7A  }
0x23: {  	s9 =	sor.u32 $0xD0000000, s2;
	s6 =	simm.s32 $0x108;
	_ =	swait.ge @!p0 [sflag:s8], $0x0  }
0x24: {  	s3 =	sadd.s32 $0x88, s3;
	s6 =	simm.s32 @!p1 $0x1082;
	[sflag:s4] =	ssyncset.s32 $0xFFFFF086  }
0x25: {  	[simem:s6], [sflag:s4] =	dma.local [hbm:s3], $0xF7A  }
0x26: {  	[smem:$0x3F95] =	sst s1;
	(tag) =	ssettag s2;
	_ =	strace s9  }
0x27: {  	s1 =	sld [smem:$0x3FA5]  }
0x28: {  	s2 =	sld [smem:$0x3FA6]  }
0x29: {  	s4 =	sld [smem:$0x3FA8]  }
0x2a: {  	p0 =	seq.s32 s5, $0x0;
	s5 =	sld [smem:$0x3FA9]  }
0x2b: {  	s6 =	sld [smem:$0x3FAA]  }
0x2c: {  	s7 =	sld [smem:$0x3FAB]  }
0x2d: {  	s3 =	simm.s32 $0x108;
	s8 =	sld [smem:$0x3FAC]  }
0x2e: {  	s3 =	simm.s32 @!p0 $0x1082;
	s9 =	sld [smem:$0x3FAD]  }
0x2f: {  	lr =	sadd.s32 s0, s3;
	s0 =	sld [smem:$0x3FA4]  }
0x30: {  	s3 =	sld [smem:$0x3FA7]  }
0x31: {  	[smem:$0x3FB0] =	sst s10  }
0x32: {  	s10 =	sld [smem:$0x3FAE];
	_ =	sdelay $0x3  }
0x33: {  	p0 =	seq.s32 s10, $0x1;
	s10 =	sld [smem:$0x3FB0];
	_ =	sdelay $0x3  }
0x34: {  	[smem:$0x3FB0] =	sst s10  }
0x35: {  	s10 =	sld [smem:$0x3FAF];
	_ =	sdelay $0x3  }
0x36: {  	p1 =	seq.s32 s10, $0x1;
	s10 =	sld [smem:$0x3FB0];
	_ =	sdelay $0x3  }
0x37: {  	[smem:$0x3FB0] =	sst s10  }
0x38: {  	s10 =	sld [smem:$0x3FB1]  }
0x39: {  	_ = 	snop;
	(pc) =	sbr.ind lr, $3  }
0x3a: {  	_ = 	snop  }
0x3b: {  	_ = 	snop  }
0x3c: {  	p2 =	seq.s32 s10, $0x1;
	s10 =	sld [smem:$0x3FB0]  }
0x3d: {  	_ =	shalt  }
0x3e: {  	_ =	shalt  }
0x3f: {  	_ =	shalt  }
0x40: {  	_ =	shalt  }
0x41: {  	_ =	shalt  }
0x42: {  	_ =	shalt  }
0x43: {  	_ =	shalt  }
0x44: {  	_ =	shalt  }
0x45: {  	_ =	shalt  }
0x46: {  	_ =	shalt  }
0x47: {  	_ =	shalt  }
0x48: {  	_ =	shalt  }
0x49: {  	_ =	shalt  }
0x4a: {  	_ =	shalt  }
0x4b: {  	_ =	shalt  }
0x4c: {  	_ =	shalt  }
0x4d: {  	_ =	shalt  }
0x4e: {  	_ =	shalt  }
0x4f: {  	_ =	shalt  }
0x50: {  	_ =	shalt  }
0x51: {  	_ =	shalt  }
0x52: {  	_ =	shalt  }
0x53: {  	_ =	shalt  }
0x54: {  	_ =	shalt  }
0x55: {  	_ =	shalt  }
0x56: {  	_ =	shalt  }
0x57: {  	_ =	shalt  }
0x58: {  	_ =	shalt  }
0x59: {  	_ =	shalt  }
0x5a: {  	_ =	shalt  }
0x5b: {  	_ =	shalt  }
0x5c: {  	_ =	shalt  }
0x5d: {  	_ =	shalt  }
0x5e: {  	_ =	shalt  }
0x5f: {  	_ =	shalt  }
0x60: {  	_ =	shalt  }
0x61: {  	_ =	shalt  }
0x62: {  	_ =	shalt  }
0x63: {  	_ =	shalt  }
0x64: {  	_ =	shalt  }
0x65: {  	_ =	shalt  }
0x66: {  	_ =	shalt  }
0x67: {  	_ =	shalt  }
0x68: {  	_ =	shalt  }
0x69: {  	_ =	shalt  }
0x6a: {  	_ =	shalt  }
0x6b: {  	_ =	shalt  }
0x6c: {  	_ =	shalt  }
0x6d: {  	_ =	shalt  }
0x6e: {  	_ =	shalt  }
0x6f: {  	_ =	shalt  }
0x70: {  	_ =	shalt  }
0x71: {  	_ =	shalt  }
0x72: {  	_ =	shalt  }
0x73: {  	_ =	shalt  }
0x74: {  	_ =	shalt  }
0x75: {  	_ =	shalt  }
0x76: {  	_ =	shalt  }
0x77: {  	_ =	shalt  }
0x78: {  	_ =	shalt  }
0x79: {  	_ =	shalt  }
0x7a: {  	_ =	shalt  }
0x7b: {  	_ =	shalt  }
0x7c: {  	_ =	shalt  }
0x7d: {  	_ =	shalt  }
0x7e: {  	_ =	shalt  }
0x7f: {  	_ =	shalt  }
0x80: {  	_ =	shalt  }
0x81: {  	_ =	shalt  }
0x82: {  	_ =	shalt  }
0x83: {  	_ =	shalt  }
0x84: {  	_ =	shalt  }
0x85: {  	_ =	shalt  }
0x86: {  	_ =	shalt  }
0x87: {  	_ =	shalt  }
.Lfunc_end0:
.L_simem_size_0:
called_computation_lowered:
.L_overlay_start_0:
0x88: {  	s2 =	sld [smem:$0x3FD9]  }
0x89: {  	s3 =	sld [smem:$0x3FFE];
	_ =	sdelay $0x1  }
0x8a: {  	s1 =	srdreg.scid  }
0x8b: {  	s0 =	sand.u32 $0x1, s1  }
0x8c: {  	s17 =	sshll.u32 s0, $0xA;
	s2 =	sadd.s32 s3, s2  }
0x8d: {  	s2 =	sadd.s32 s2, s17  }
0x8e: {  	[smem:$0x3FBC] =	sst s2  }
0x8f: {  	_ = 	snop  }
0x90: {  	s2 =	sld [smem:$0x3FC0]  }
0x91: {  	s18 =	sld [smem:$0x3FBF]  }
0x92: {  	s4 =	sld [smem:$0x3FD0];
	(tm) =	ssettm $0x1  }
0x93: {  	s5 =	sld [smem:$0x3FFB];
	_ =	sdelay $0x3  }
0x94: {  	_ =	strace s5  }
0x95: {  	s5 =	sld [smem:$0x3FFC];
	_ =	sdelay $0x3  }
0x96: {  	_ =	strace s5  }
0x97: {  	s5 =	sld [smem:$0x3FFD];
	_ =	sdelay $0x3  }
0x98: {  	_ =	strace s5  }
0x99: {  	_ =	strace $0x8FFFFFFF  }
0x9a: {  	s19 =	sld [smem:$0x3FDB];
	_ =	sdelay $0x1  }
0x9b: {  	s6 =	simm.s32 $_scs_section_size  }
0x9c: {  	s7 =	simm.s32 $_size__tile_overlayer_lowered;
	s8 =	simm.s32 $_tile_overlayer_lowered  }
0x9d: {  	s22 =	simm.s32 $0x1BFF;
	s21 =	sshll.u32 s8, $0x1;
	s5 =	sadd.s32 s6, s19  }
0x9e: {  	s9 =	simm.s32 $0x0;
	s20 =	sshll.u32 s7, $0x1;
	s7 =	sadd.s32 s21, s5  }
0x9f: {  	[timem:s9], [sflag:s22] =	dma.local [hbm:s7], s20  }
0xa0: {  	_ =	swait.ge [sflag:s22], s20  }
0xa1: {  	s6 =	ssub.s32 $0x0, s20;
	[sflag:s22] =	ssyncset.done $0x0  }
0xa2: {  	[sflag:s22] =	ssyncadd.s32 s6;
	_ =	sdelay $0x1  }
0xa3: {  	s23 =	simm.s32 $0x1B8B  }
0xa4: {  	_ =	swait.ge [sflag:s23], $0x1  }
0xa5: {  	[sflag:s23] =	ssyncset.done $0x0  }
0xa6: {  	s25 =	simm.s32 $0x1B8E;
	s24 =	sld [smem:$0x3FFE];
	[sflag:s23] =	ssyncadd.s32 $0xFFFFFFFF  }
0xa7: {  	s26 =	simm.s32 $execute0_lowered;
	[smem:$0x3FD2] =	sst s25  }
0xa8: {  	s7 =	sshll.u32 s26, $0x1;
	_ =	strace $0x80000046;
	[dreg:$0x1] =	wrdreg $0xFFFFFFFF  }
0xa9: {  	s28 =	simm.s32 $_size_execute0_lowered;
	s5 =	sadd.s32 s5, s7;
	[dreg:$0x0] =	wrdreg $0x0  }
0xaa: {  	s7 =	sshll.u32 s28, $0x1;
	[dreg:$0x2] =	wrdreg s5  }
0xab: {  	[dreg:$0x3] =	wrdreg s7  }
0xac: {  	[dreg:$0x4] =	wrdreg $0xC0  }
0xad: {  	_ =	task [dreg:s9], $0x5FFFF  }
0xae: {  	[dreg:$0x1] =	wrdreg $0xFFFFFFFF  }
0xaf: {  	[dreg:$0x0] =	wrdreg $0x60  }
0xb0: {  	[dreg:$0x2] =	wrdreg s24  }
0xb1: {  	[dreg:$0x3] =	wrdreg s2  }
0xb2: {  	[dreg:$0x4] =	wrdreg s18  }
0xb3: {  	[dreg:$0x5] =	wrdreg s4  }
0xb4: {  	[dreg:$0x6] =	wrdreg $0x9  }
0xb5: {  	_ =	task.clear_ibuf [dreg:s9], $0x7FFFF;
	_ =	strace $0x90000046  }
0xb6: {  	s29 =	simm.s32 $0x9;
	_ =	strace $0x80000048  }
0xb7: {  	_ =	swait.ge [sflag:s29], $0x1  }
0xb8: {  	[sflag:s29] =	ssyncadd.s32 $0xFFFFFFFF  }
0xb9: {  	_ =	strace $0x90000048  }
0xba: {  	_ =	sfence  }
0xbb: {  	s30 =	sld [smem:$0x0];
	_ =	sdelay $0x2  }
0xbc: {  	s31 =	sshll.u32 s1, $0xD;
	s1 =	sshrl.u32 s1, $0x2  }
0xbd: {  	s3 =	sand.u32 $0x4000, s31;
	s1 =	sadd.s32 s1, s30  }
0xbe: {  	s0 =	sor.u32 s3, s0;
	s1 =	sshll.u32 s1, $0x11  }
0xbf: {  	s0 =	sor.u32 s1, s0  }
0xc0: {  	s0 =	sadd.s32 $0x8F2B, s0  }
0xc1: {  	[sflag:s0] =	ssyncadd.remote.s32 $0x1  }
0xc2: {  	_ =	sfence.sel $0xFFFF  }
0xc3: {  	[dreg:$0x0] =	wrdreg $0xFFFFFFFF;
	(pc) =	sbr.abs _section_cstart, $3  }
0xc4: {  	[dreg:$0x1] =	wrdreg $0xFFFFFFFF  }
0xc5: {  	_ =	task.clear_ibuf [dreg:s9], $0x2FFFF;
	_ =	strace $0x9FFFFFFF  }
0xc6: {  	(tm) =	ssettm $0x7FFFFFFF  }
0xc7: {  	_ =	shalt  }
tec
execute0_lowered:
.L_overlay_start_1:
0x0: {  	(tag) =	ssettag $0x1  }
0x1: {  	s0 =	rddreg [dreg:$0x0]  }
0x2: {  	s3 =	rddreg [dreg:$0x1]  }
0x3: {  	s4 =	rddreg [dreg:$0x2]  }
0x4: {  	s5 =	rddreg [dreg:$0x3]  }
0x5: {  	s1 =	simm.s32 $0x0;
	s9 =	srdreg.scid;
	s18 =	stileid.u32  }
0x6: {  	s28 =	simm.s32 $0x1E780;
	s29 =	simm.s32 $0x3;
	s30 =	simm.s32 $0x1E800  }
0x7: {  	s31 =	simm.s32 $0x1F080;
	[smem:$0x7FF] =	sst s1;
	s6 =	sadd.s32 $0x197E00, s0  }
0x8: {  	s2 =	sadd.s32 $0x11400, s0;
	s21 =	sadd.s32 $0x1400, s0;
	s7 =	sadd.s32 $0x1FAC00, s0  }
0x9: {  	s8 =	sadd.s32 $0x1AAC00, s0;
	s10 =	sadd.s32 $0x1AAA00, s0;
	s9 =	sand.u32 $0x1, s9  }
0xa: {  	s12 =	sshll.u32 s18, $0x8;
	s15 =	sadd.s32 $0x1BAC00, s0;
	s13 =	sshll.u32 s9, $0x7  }
0xb: {  	s19 =	sshll.u32 s18, $0xB;
	_ =	strace $0x80000047;
	s12 =	sor.u32 s13, s12  }
0xc: {  	[dreg:$0x5] =	wrdreg s6;
	s11 =	ssub.s32 $0x2, s9;
	s13 =	sshll.u32 s12, $0x4  }
0xd: {  	s14 =	sshrl.u32 s11, $0x1;
	s17 =	sshrl.u32 s12, $0x3;
	s22 =	sadd.s32 s21, s13  }
0xe: {  	s11 =	ssub.s32 s11, s14;
	s24 =	sadd.s32 s3, s17;
	[dreg:$0x6] =	wrdreg s22  }
0xf: {  	s16 =	sor.u32 $0x40, s12;
	s13 =	sadd.s32 s8, s13;
	[dreg:$0x8] =	wrdreg s24  }
0x10: {  	s23 =	sshll.u32 s16, $0x4;
	s26 =	sadd.s32 s10, s17;
	[dreg:$0x9] =	wrdreg s13  }
0x11: {  	s25 =	sshrl.u32 s16, $0x3;
	s14 =	sadd.s32 s4, s17;
	[dreg:$0xa] =	wrdreg s26  }
0x12: {  	s17 =	sshll.u32 s16, $0x6;
	s6 =	sadd.s32 s21, s23;
	[dreg:$0xe] =	wrdreg s14  }
0x13: {  	s3 =	sadd.s32 s3, s25;
	s8 =	sadd.s32 s8, s23;
	[dreg:$0x7] =	wrdreg s6  }
0x14: {  	s10 =	sadd.s32 s10, s25;
	s13 =	sshll.u32 s12, $0x6;
	[dreg:$0xb] =	wrdreg s3  }
0x15: {  	s4 =	sadd.s32 s4, s25;
	s21 =	sshll.u32 s18, $0x12;
	[dreg:$0xc] =	wrdreg s8  }
0x16: {  	s24 =	sshll.u32 s12, $0xA;
	[dreg:$0xd] =	wrdreg s10;
	s14 =	sadd.s32 s15, s13  }
0x17: {  	[dreg:$0xf] =	wrdreg s4;
	s3 =	sadd.s32 s15, s17;
	s22 =	sadd.s32 s21, s7  }
0x18: {  	s25 =	sadd.s32 s24, s7;
	s7 =	smax.u32 s11, $0x1;
	[dreg:$0x10] =	wrdreg s3  }
0x19: {  	s20 =	sshll.u32 s9, $0xA;
	s6 =	sadd.s32 $0x200, s14;
	[dreg:$0x13] =	wrdreg s7  }
0x1a: {  	s23 =	sshll.u32 s9, $0x11;
	s9 =	sadd.s32 $0x10000, s25;
	[dreg:$0x12] =	wrdreg s6  }
0x1b: {  	s18 =	sadd.s32 $0x19B000, s0;
	s11 =	sadd.s32 $0x400, s14;
	[dreg:$0x14] =	wrdreg s9  }
0x1c: {  	s26 =	sshll.u32 s12, $0x3;
	s12 =	sadd.s32 $0x600, s14;
	[dreg:$0x17] =	wrdreg s11  }
0x1d: {  	s3 =	sadd.s32 s19, s5;
	s13 =	sadd.s32 $0x800, s14;
	[dreg:$0x18] =	wrdreg s12  }
0x1e: {  	s15 =	sadd.s32 $0xA00, s14;
	s16 =	sadd.s32 $0xC00, s14;
	[dreg:$0x19] =	wrdreg s13  }
0x1f: {  	s17 =	sadd.s32 $0xE00, s14;
	s19 =	sadd.s32 $0x1200, s14;
	[dreg:$0x1a] =	wrdreg s15  }
0x20: {  	s21 =	sadd.s32 $0x1400, s14;
	s24 =	sadd.s32 $0x1A00, s14;
	[dreg:$0x1b] =	wrdreg s16  }
0x21: {  	s7 =	simm.s32 $0x18780;
	s8 =	sadd.s32 s20, s3;
	[dreg:$0x1c] =	wrdreg s17  }
0x22: {  	s3 =	sadd.s32 s23, s22;
	s20 =	sadd.s32 $0x19B100, s0;
	[dreg:$0x1d] =	wrdreg s19  }
0x23: {  	s0 =	sadd.s32 $0x10400, s25;
	[dreg:$0x1e] =	wrdreg s21;
	s22 =	sadd.s32 $0x1600, s14  }
0x24: {  	s23 =	sadd.s32 $0x1800, s14;
	[smem:$0x7FB] =	sst s24;
	s25 =	sadd.s32 $0x1C00, s14  }
0x25: {  	s11 =	simm.s32 $0x5;
	s12 =	simm.s32 $0x18700;
	[dreg:$0x11] =	wrdreg s3  }
0x26: {  	s13 =	simm.s32 $0x40;
	s15 =	simm.s32 $0x1A700;
	[dreg:$0x15] =	wrdreg s0  }
0x27: {  	s21 =	simm.s32 $0x1C700;
	s19 =	simm.s32 $0x1;
	[dreg:$0x1f] =	wrdreg s22  }
.Ltmp0:
0x28: {  	s24 =	simm.s32 $0x1E880;
	[smem:$0x7FA] =	sst s23;
	(pc) =	sbr.rel .LBB2_1-.Ltmp0, $4  }
0x29: {  	s3 =	sadd.s32 s26, s5;
	[smem:$0x7FC] =	sst s25;
	s26 =	sadd.s32 $0x1E00, s14  }
0x2a: {  	v0 =	vlaneseq.u32;
	s9 =	smov.u32 s8;
	s17 =	sadd.s32 $0x200, s8;
	s22 =	simm.s32 $0x1E700  }
0x2b: {  	v1 =	vshrl.u32 v0, $0x3;
	s23 =	simm.s32 $0x4;
	s10 =	sadd.s32 $0x208, s3;
	[smem:$0x7FD] =	sst s26  }
0x2c: {  	vm0 =	vmmov $0xffff;
	v0 =	vand.u32 $0x7, v0;
	v1 =	vmul.u32 $0x8, v1;
	s25 =	simm.s32 $0x0;
	s26 =	simm.s32 $0x2;
	[dreg:$0x16] =	wrdreg s10  }
.LBB2_7:
0x2d: {  	_ =	swait.ge [sflag:s29], $0x2000  }
0x2e: {  	[sflag:s29] =	ssyncset.done $0x0  }
0x2f: {  	[sflag:s29] =	ssyncadd.s32 $0xFFFFE000  }
0x30: {  	_ =	swait.ge [sflag:s29], $0x40  }
0x31: {  	[sflag:s29] =	ssyncset.done $0x0  }
0x32: {  	[sflag:s29] =	ssyncadd.s32 $0xFFFFFFC0  }
0x33: {  	_ =	swait.ge [sflag:s23], $0x2000  }
0x34: {  	[sflag:s23] =	ssyncset.done $0x0  }
0x35: {  	[sflag:s23] =	ssyncadd.s32 $0xFFFFE000  }
0x36: {  	_ =	swait.ge [sflag:s23], $0x40  }
0x37: {  	[sflag:s23] =	ssyncset.done $0x0  }
0x38: {  	s0 =	rddreg [dreg:$0x8];
	[sflag:s23] =	ssyncadd.s32 $0xFFFFFFC0  }
0x39: {  	[tilespmem:s30], [sflag:$0x5] =	stream.linear.gather [hbm4b:s0+s1], $0x40, $0x38;
	[tilespmem:$0x1F880] =	vst v63  }
0x3a: {  	_ =	swait.ge [sflag:s11], $0x40  }
0x3b: {  	[sflag:s11] =	ssyncset.done $0x0  }
0x3c: {  	[sflag:s11] =	ssyncadd.s32 $0xFFFFFFC0  }
0x3d: {  	[tilespmem:s15], [sflag:$0x1] =	stream.indirect.gather [hbm4b:s2+s13], $0x80, s30, s13, $0xb8;
	[tilespmem:$0x1F880] =	vst v63  }
0x3e: {  	_ =	swait.ge [sflag:s19], $0x2000  }
0x3f: {  	[sflag:s19] =	ssyncset.done $0x0  }
0x40: {  	[sflag:s19] =	ssyncadd.s32 $0xFFFFE000  }
0x41: {  	v2 =	vld [tilespmem:$0x1E800];
	_ =	sdelay $0x5  }
0x42: {  	v3 =	vld [tilespmem:$0x1E810];
	_ =	sdelay $0x1  }
0x43: {  	v2 =	vld.idx.msk [tilespmem:v2+s1+$0x0], $0xffff;
	_ =	sdelay $0x3  }
0x44: {  	v4 =	vld [tilespmem:$0x1E820]  }
0x45: {  	[tilespmem:$0x1E700] =	vst v2  }
0x46: {  	v2 =	vld.idx.msk [tilespmem:v3+s1+$0x0], $0xffff;
	_ =	sdelay $0x3  }
0x47: {  	v3 =	vld [tilespmem:$0x1E830]  }
0x48: {  	[tilespmem:$0x1E710] =	vst v2  }
0x49: {  	v2 =	vld.idx.msk [tilespmem:v4+s1+$0x0], $0xffff;
	_ =	sdelay $0x4  }
0x4a: {  	[tilespmem:$0x1E720] =	vst v2  }
0x4b: {  	v2 =	vld.idx.msk [tilespmem:v3+s1+$0x0], $0xffff;
	_ =	sdelay $0x4  }
0x4c: {  	s4 =	rddreg [dreg:$0x9];
	[tilespmem:$0x1E730] =	vst v2  }
0x4d: {  	[hbm4b:s4+s1] =	stream.linear.scatter [tilespmem:s15], [sflag:$0x5], $0x2000, $0x38;
	[tilespmem:$0x1F880] =	vst v63  }
0x4e: {  	_ =	swait.ge [sflag:s11], $0x2000  }
0x4f: {  	[sflag:s11] =	ssyncset.done $0x0  }
0x50: {  	s5 =	rddreg [dreg:$0xa];
	[sflag:s11] =	ssyncadd.s32 $0xFFFFE000  }
0x51: {  	[hbm4b:s5+s1] =	stream.linear.scatter [tilespmem:s22], [sflag:$0x5], $0x40, $0x38;
	[tilespmem:$0x1F880] =	vst v63  }
0x52: {  	_ =	swait.ge [sflag:s11], $0x40  }
0x53: {  	[sflag:s11] =	ssyncset.done $0x0  }
0x54: {  	s6 =	rddreg [dreg:$0xb];
	[sflag:s11] =	ssyncadd.s32 $0xFFFFFFC0  }
0x55: {  	[tilespmem:s30], [sflag:$0x5] =	stream.linear.gather [hbm4b:s6+s1], $0x40, $0x38;
	[tilespmem:$0x1F880] =	vst v63  }
0x56: {  	_ =	swait.ge [sflag:s11], $0x40  }
0x57: {  	[sflag:s11] =	ssyncset.done $0x0  }
0x58: {  	[sflag:s11] =	ssyncadd.s32 $0xFFFFFFC0  }
0x59: {  	[tilespmem:s15], [sflag:$0x1] =	stream.indirect.gather [hbm4b:s2+s13], $0x80, s30, s13, $0xb8;
	[tilespmem:$0x1F880] =	vst v63  }
0x5a: {  	_ =	swait.ge [sflag:s19], $0x2000  }
0x5b: {  	[sflag:s19] =	ssyncset.done $0x0  }
0x5c: {  	[sflag:s19] =	ssyncadd.s32 $0xFFFFE000  }
0x5d: {  	v2 =	vld [tilespmem:$0x1E800];
	_ =	sdelay $0x5  }
0x5e: {  	v3 =	vld [tilespmem:$0x1E810];
	_ =	sdelay $0x1  }
0x5f: {  	v2 =	vld.idx.msk [tilespmem:v2+s1+$0x0], $0xffff;
	_ =	sdelay $0x3  }
0x60: {  	v63 =	vld [tilespmem:$0x1E820]  }
0x61: {  	[tilespmem:$0x1E700] =	vst v2  }
0x62: {  	v2 =	vld.idx.msk [tilespmem:v3+s1+$0x0], $0xffff;
	_ =	sdelay $0x3  }
0x63: {  	v3 =	vld [tilespmem:$0x1E830]  }
0x64: {  	[tilespmem:$0x1E710] =	vst v2  }
0x65: {  	v2 =	vld.idx.msk [tilespmem:v63+s1+$0x0], $0xffff;
	_ =	sdelay $0x4  }
0x66: {  	[tilespmem:$0x1E720] =	vst v2  }
0x67: {  	v2 =	vld.idx.msk [tilespmem:v3+s1+$0x0], $0xffff;
	_ =	sdelay $0x4  }
0x68: {  	s7 =	rddreg [dreg:$0xc];
	[tilespmem:$0x1E730] =	vst v2  }
0x69: {  	[hbm4b:s7+s1] =	stream.linear.scatter [tilespmem:s15], [sflag:$0x5], $0x2000, $0x38;
	[tilespmem:$0x1F880] =	vst v63  }
0x6a: {  	_ =	swait.ge [sflag:s11], $0x2000  }
0x6b: {  	[sflag:s11] =	ssyncset.done $0x0  }
0x6c: {  	s8 =	rddreg [dreg:$0xd];
	[sflag:s11] =	ssyncadd.s32 $0xFFFFE000  }
0x6d: {  	[hbm4b:s8+s1] =	stream.linear.scatter [tilespmem:s22], [sflag:$0x5], $0x40, $0x38;
	[tilespmem:$0x1F880] =	vst v63  }
0x6e: {  	_ =	swait.ge [sflag:s11], $0x40  }
0x6f: {  	[sflag:s11] =	ssyncset.done $0x0  }
0x70: {  	s10 =	rddreg [dreg:$0xe];
	[sflag:s11] =	ssyncadd.s32 $0xFFFFFFC0  }
0x71: {  	[tilespmem:s30], [sflag:$0x5] =	stream.linear.gather [hbm4b:s10+s1], $0x40, $0x38;
	[tilespmem:$0x1F880] =	vst v63  }
0x72: {  	_ =	swait.ge [sflag:s11], $0x40  }
0x73: {  	[sflag:s11] =	ssyncset.done $0x0  }
0x74: {  	[sflag:s11] =	ssyncadd.s32 $0xFFFFFFC0  }
0x75: {  	v2 =	vld.msk [tilespmem:$0x1E800], $0xff;
	_ =	sdelay $0x4  }
0x76: {  	v3 =	vshll.u32 v2, $0x2  }
0x77: {  	v2 =	vand.u32 $0x7, v2;
	v3 =	vand.u32 $0xFFFFFFE0, v3  }
0x78: {  	v2 =	vor.u32 v2, v3  }
0x79: {  	v2 =	vperm.xlane v2, v0;
	_ =	sdelay $0x1  }
0x7a: {  	v2 =	vadd.s32 v1, v2;
	_ =	sdelay $0x4  }
0x7b: {  	[tilespmem:s24], [sflag:$0x1] =	stream.indirect_vreg.gather [hbm4b:s18+s1], $0x80, v2, vm0, $0xb8;
	[tilespmem:$0x1F880] =	vst v63  }
0x7c: {  	_ = 	snop  }
0x7d: {  	[tilespmem:s31], [sflag:$0x1] =	stream.indirect_vreg.gather [hbm4b:s20+s1], $0x80, v2, vm0, $0xb8;
	[tilespmem:$0x1F880] =	vst v63  }
0x7e: {  	_ =	swait.ge [sflag:s19], $0x1000  }
0x7f: {  	[sflag:s19] =	ssyncset.done $0x0  }
0x80: {  	[sflag:s19] =	ssyncadd.s32 $0xFFFFF000  }
0x81: {  	[hbm4b:s14+s1] =	stream.linear.scatter [tilespmem:s24], [sflag:$0x5], $0x1000, $0x38;
	[tilespmem:$0x1F880] =	vst v63  }
0x82: {  	_ =	swait.ge [sflag:s11], $0x1000  }
0x83: {  	[sflag:s11] =	ssyncset.done $0x0  }
0x84: {  	[sflag:s11] =	ssyncadd.s32 $0xFFFFF000  }
0x85: {  	v2 =	vld.msk [tilespmem:$0x1E808], $0xff;
	_ =	sdelay $0x4  }
0x86: {  	v3 =	vshll.u32 v2, $0x2  }
0x87: {  	v2 =	vand.u32 $0x7, v2;
	v3 =	vand.u32 $0xFFFFFFE0, v3  }
0x88: {  	v2 =	vor.u32 v2, v3  }
0x89: {  	v2 =	vperm.xlane v2, v0;
	_ =	sdelay $0x1  }
0x8a: {  	v2 =	vadd.s32 v1, v2;
	_ =	sdelay $0x4  }
0x8b: {  	[tilespmem:s24], [sflag:$0x1] =	stream.indirect_vreg.gather [hbm4b:s18+s1], $0x80, v2, vm0, $0xb8;
	[tilespmem:$0x1F880] =	vst v63  }
0x8c: {  	_ = 	snop  }
0x8d: {  	[tilespmem:s31], [sflag:$0x1] =	stream.indirect_vreg.gather [hbm4b:s20+s1], $0x80, v2, vm0, $0xb8;
	[tilespmem:$0x1F880] =	vst v63  }
0x8e: {  	_ =	swait.ge [sflag:s19], $0x1000  }
0x8f: {  	[sflag:s19] =	ssyncset.done $0x0  }
0x90: {  	s16 =	rddreg [dreg:$0x12];
	[sflag:s19] =	ssyncadd.s32 $0xFFFFF000  }
0x91: {  	[hbm4b:s16+s1] =	stream.linear.scatter [tilespmem:s24], [sflag:$0x5], $0x1000, $0x38;
	[tilespmem:$0x1F880] =	vst v63  }
0x92: {  	_ =	swait.ge [sflag:s11], $0x1000  }
0x93: {  	[sflag:s11] =	ssyncset.done $0x0  }
0x94: {  	[sflag:s11] =	ssyncadd.s32 $0xFFFFF000  }
0x95: {  	v2 =	vld.msk [tilespmem:$0x1E810], $0xff;
	_ =	sdelay $0x4  }
0x96: {  	v3 =	vshll.u32 v2, $0x2  }
0x97: {  	v2 =	vand.u32 $0x7, v2;
	v3 =	vand.u32 $0xFFFFFFE0, v3  }
0x98: {  	v2 =	vor.u32 v2, v3  }
0x99: {  	v2 =	vperm.xlane v2, v0;
	_ =	sdelay $0x1  }
0x9a: {  	v2 =	vadd.s32 v1, v2;
	_ =	sdelay $0x4  }
0x9b: {  	[tilespmem:s24], [sflag:$0x1] =	stream.indirect_vreg.gather [hbm4b:s18+s1], $0x80, v2, vm0, $0xb8;
	[tilespmem:$0x1F880] =	vst v63  }
0x9c: {  	_ = 	snop  }
0x9d: {  	[tilespmem:s31], [sflag:$0x1] =	stream.indirect_vreg.gather [hbm4b:s20+s1], $0x80, v2, vm0, $0xb8;
	[tilespmem:$0x1F880] =	vst v63  }
0x9e: {  	_ =	swait.ge [sflag:s19], $0x1000  }
0x9f: {  	[sflag:s19] =	ssyncset.done $0x0  }
0xa0: {  	s3 =	rddreg [dreg:$0x17];
	[sflag:s19] =	ssyncadd.s32 $0xFFFFF000  }
0xa1: {  	[hbm4b:s3+s1] =	stream.linear.scatter [tilespmem:s24], [sflag:$0x5], $0x1000, $0x38;
	[tilespmem:$0x1F880] =	vst v63  }
0xa2: {  	_ =	swait.ge [sflag:s11], $0x1000  }
0xa3: {  	[sflag:s11] =	ssyncset.done $0x0  }
0xa4: {  	[sflag:s11] =	ssyncadd.s32 $0xFFFFF000  }
0xa5: {  	v2 =	vld.msk [tilespmem:$0x1E818], $0xff;
	_ =	sdelay $0x4  }
0xa6: {  	v3 =	vshll.u32 v2, $0x2  }
0xa7: {  	v2 =	vand.u32 $0x7, v2;
	v3 =	vand.u32 $0xFFFFFFE0, v3  }
0xa8: {  	v2 =	vor.u32 v2, v3  }
0xa9: {  	v2 =	vperm.xlane v2, v0;
	_ =	sdelay $0x1  }
0xaa: {  	v2 =	vadd.s32 v1, v2;
	_ =	sdelay $0x4  }
0xab: {  	[tilespmem:s24], [sflag:$0x1] =	stream.indirect_vreg.gather [hbm4b:s18+s1], $0x80, v2, vm0, $0xb8;
	[tilespmem:$0x1F880] =	vst v63  }
0xac: {  	_ = 	snop  }
0xad: {  	[tilespmem:s31], [sflag:$0x1] =	stream.indirect_vreg.gather [hbm4b:s20+s1], $0x80, v2, vm0, $0xb8;
	[tilespmem:$0x1F880] =	vst v63  }
0xae: {  	_ =	swait.ge [sflag:s19], $0x1000  }
0xaf: {  	[sflag:s19] =	ssyncset.done $0x0  }
0xb0: {  	s4 =	rddreg [dreg:$0x18];
	[sflag:s19] =	ssyncadd.s32 $0xFFFFF000  }
0xb1: {  	[hbm4b:s4+s1] =	stream.linear.scatter [tilespmem:s24], [sflag:$0x5], $0x1000, $0x38;
	[tilespmem:$0x1F880] =	vst v63  }
0xb2: {  	_ =	swait.ge [sflag:s11], $0x1000  }
0xb3: {  	[sflag:s11] =	ssyncset.done $0x0  }
0xb4: {  	[sflag:s11] =	ssyncadd.s32 $0xFFFFF000  }
0xb5: {  	v2 =	vld.msk [tilespmem:$0x1E820], $0xff;
	_ =	sdelay $0x4  }
0xb6: {  	v3 =	vshll.u32 v2, $0x2  }
0xb7: {  	v2 =	vand.u32 $0x7, v2;
	v3 =	vand.u32 $0xFFFFFFE0, v3  }
0xb8: {  	v2 =	vor.u32 v2, v3  }
0xb9: {  	v2 =	vperm.xlane v2, v0;
	_ =	sdelay $0x1  }
0xba: {  	v2 =	vadd.s32 v1, v2;
	_ =	sdelay $0x4  }
0xbb: {  	[tilespmem:s24], [sflag:$0x1] =	stream.indirect_vreg.gather [hbm4b:s18+s1], $0x80, v2, vm0, $0xb8;
	[tilespmem:$0x1F880] =	vst v63  }
0xbc: {  	_ = 	snop  }
0xbd: {  	[tilespmem:s31], [sflag:$0x1] =	stream.indirect_vreg.gather [hbm4b:s20+s1], $0x80, v2, vm0, $0xb8;
	[tilespmem:$0x1F880] =	vst v63  }
0xbe: {  	_ =	swait.ge [sflag:s19], $0x1000  }
0xbf: {  	[sflag:s19] =	ssyncset.done $0x0  }
0xc0: {  	s5 =	rddreg [dreg:$0x19];
	[sflag:s19] =	ssyncadd.s32 $0xFFFFF000  }
0xc1: {  	[hbm4b:s5+s1] =	stream.linear.scatter [tilespmem:s24], [sflag:$0x5], $0x1000, $0x38;
	[tilespmem:$0x1F880] =	vst v63  }
0xc2: {  	_ =	swait.ge [sflag:s11], $0x1000  }
0xc3: {  	[sflag:s11] =	ssyncset.done $0x0  }
0xc4: {  	[sflag:s11] =	ssyncadd.s32 $0xFFFFF000  }
0xc5: {  	v2 =	vld.msk [tilespmem:$0x1E828], $0xff;
	_ =	sdelay $0x4  }
0xc6: {  	v3 =	vshll.u32 v2, $0x2  }
0xc7: {  	v2 =	vand.u32 $0x7, v2;
	v3 =	vand.u32 $0xFFFFFFE0, v3  }
0xc8: {  	v2 =	vor.u32 v2, v3  }
0xc9: {  	v2 =	vperm.xlane v2, v0;
	_ =	sdelay $0x1  }
0xca: {  	v2 =	vadd.s32 v1, v2;
	_ =	sdelay $0x4  }
0xcb: {  	[tilespmem:s24], [sflag:$0x1] =	stream.indirect_vreg.gather [hbm4b:s18+s1], $0x80, v2, vm0, $0xb8;
	[tilespmem:$0x1F880] =	vst v63  }
0xcc: {  	_ = 	snop  }
0xcd: {  	[tilespmem:s31], [sflag:$0x1] =	stream.indirect_vreg.gather [hbm4b:s20+s1], $0x80, v2, vm0, $0xb8;
	[tilespmem:$0x1F880] =	vst v63  }
0xce: {  	_ =	swait.ge [sflag:s19], $0x1000  }
0xcf: {  	[sflag:s19] =	ssyncset.done $0x0  }
0xd0: {  	s6 =	rddreg [dreg:$0x1a];
	[sflag:s19] =	ssyncadd.s32 $0xFFFFF000  }
0xd1: {  	[hbm4b:s6+s1] =	stream.linear.scatter [tilespmem:s24], [sflag:$0x5], $0x1000, $0x38;
	[tilespmem:$0x1F880] =	vst v63  }
0xd2: {  	_ =	swait.ge [sflag:s11], $0x1000  }
0xd3: {  	[sflag:s11] =	ssyncset.done $0x0  }
0xd4: {  	[sflag:s11] =	ssyncadd.s32 $0xFFFFF000  }
0xd5: {  	v2 =	vld.msk [tilespmem:$0x1E830], $0xff;
	_ =	sdelay $0x4  }
0xd6: {  	v3 =	vshll.u32 v2, $0x2  }
0xd7: {  	v2 =	vand.u32 $0x7, v2;
	v3 =	vand.u32 $0xFFFFFFE0, v3  }
0xd8: {  	v2 =	vor.u32 v2, v3  }
0xd9: {  	v2 =	vperm.xlane v2, v0;
	_ =	sdelay $0x1  }
0xda: {  	v2 =	vadd.s32 v1, v2;
	_ =	sdelay $0x4  }
0xdb: {  	[tilespmem:s24], [sflag:$0x1] =	stream.indirect_vreg.gather [hbm4b:s18+s1], $0x80, v2, vm0, $0xb8;
	[tilespmem:$0x1F880] =	vst v63  }
0xdc: {  	_ = 	snop  }
0xdd: {  	[tilespmem:s31], [sflag:$0x1] =	stream.indirect_vreg.gather [hbm4b:s20+s1], $0x80, v2, vm0, $0xb8;
	[tilespmem:$0x1F880] =	vst v63  }
0xde: {  	_ =	swait.ge [sflag:s19], $0x1000  }
0xdf: {  	[sflag:s19] =	ssyncset.done $0x0  }
0xe0: {  	s7 =	rddreg [dreg:$0x1b];
	[sflag:s19] =	ssyncadd.s32 $0xFFFFF000  }
0xe1: {  	[hbm4b:s7+s1] =	stream.linear.scatter [tilespmem:s24], [sflag:$0x5], $0x1000, $0x38;
	[tilespmem:$0x1F880] =	vst v63  }
0xe2: {  	_ =	swait.ge [sflag:s11], $0x1000  }
0xe3: {  	[sflag:s11] =	ssyncset.done $0x0  }
0xe4: {  	[sflag:s11] =	ssyncadd.s32 $0xFFFFF000  }
0xe5: {  	v2 =	vld.msk [tilespmem:$0x1E838], $0xff;
	_ =	sdelay $0x4  }
0xe6: {  	v3 =	vshll.u32 v2, $0x2  }
0xe7: {  	v2 =	vand.u32 $0x7, v2;
	v3 =	vand.u32 $0xFFFFFFE0, v3  }
0xe8: {  	v2 =	vor.u32 v2, v3  }
0xe9: {  	v2 =	vperm.xlane v2, v0;
	_ =	sdelay $0x1  }
0xea: {  	v2 =	vadd.s32 v1, v2;
	_ =	sdelay $0x4  }
0xeb: {  	[tilespmem:s24], [sflag:$0x1] =	stream.indirect_vreg.gather [hbm4b:s18+s1], $0x80, v2, vm0, $0xb8;
	[tilespmem:$0x1F880] =	vst v63  }
0xec: {  	_ = 	snop  }
0xed: {  	[tilespmem:s31], [sflag:$0x1] =	stream.indirect_vreg.gather [hbm4b:s20+s1], $0x80, v2, vm0, $0xb8;
	[tilespmem:$0x1F880] =	vst v63  }
0xee: {  	_ =	swait.ge [sflag:s19], $0x1000  }
0xef: {  	[sflag:s19] =	ssyncset.done $0x0  }
0xf0: {  	s8 =	rddreg [dreg:$0x1c];
	[sflag:s19] =	ssyncadd.s32 $0xFFFFF000  }
0xf1: {  	[hbm4b:s8+s1] =	stream.linear.scatter [tilespmem:s24], [sflag:$0x5], $0x1000, $0x38;
	[tilespmem:$0x1F880] =	vst v63  }
0xf2: {  	_ =	swait.ge [sflag:s11], $0x1000  }
0xf3: {  	[sflag:s11] =	ssyncset.done $0x0  }
0xf4: {  	s10 =	rddreg [dreg:$0xf];
	[sflag:s11] =	ssyncadd.s32 $0xFFFFF000  }
0xf5: {  	[tilespmem:s30], [sflag:$0x5] =	stream.linear.gather [hbm4b:s10+s1], $0x40, $0x38;
	[tilespmem:$0x1F880] =	vst v63  }
0xf6: {  	_ =	swait.ge [sflag:s11], $0x40  }
0xf7: {  	[sflag:s11] =	ssyncset.done $0x0  }
0xf8: {  	[sflag:s11] =	ssyncadd.s32 $0xFFFFFFC0  }
0xf9: {  	v2 =	vld.msk [tilespmem:$0x1E800], $0xff;
	_ =	sdelay $0x4  }
0xfa: {  	v3 =	vshll.u32 v2, $0x2  }
0xfb: {  	v2 =	vand.u32 $0x7, v2;
	v3 =	vand.u32 $0xFFFFFFE0, v3  }
0xfc: {  	v2 =	vor.u32 v2, v3  }
0xfd: {  	v2 =	vperm.xlane v2, v0;
	_ =	sdelay $0x1  }
0xfe: {  	v2 =	vadd.s32 v1, v2;
	_ =	sdelay $0x4  }
0xff: {  	[tilespmem:s24], [sflag:$0x1] =	stream.indirect_vreg.gather [hbm4b:s18+s1], $0x80, v2, vm0, $0xb8;
	[tilespmem:$0x1F880] =	vst v63  }
0x100: {  	_ = 	snop  }
0x101: {  	[tilespmem:s31], [sflag:$0x1] =	stream.indirect_vreg.gather [hbm4b:s20+s1], $0x80, v2, vm0, $0xb8;
	[tilespmem:$0x1F880] =	vst v63  }
0x102: {  	_ =	swait.ge [sflag:s19], $0x1000  }
0x103: {  	[sflag:s19] =	ssyncset.done $0x0  }
0x104: {  	s16 =	rddreg [dreg:$0x10];
	[sflag:s19] =	ssyncadd.s32 $0xFFFFF000  }
0x105: {  	[hbm4b:s16+s1] =	stream.linear.scatter [tilespmem:s24], [sflag:$0x5], $0x1000, $0x38;
	[tilespmem:$0x1F880] =	vst v63  }
0x106: {  	_ =	swait.ge [sflag:s11], $0x1000  }
0x107: {  	[sflag:s11] =	ssyncset.done $0x0  }
0x108: {  	[sflag:s11] =	ssyncadd.s32 $0xFFFFF000  }
0x109: {  	v2 =	vld.msk [tilespmem:$0x1E808], $0xff;
	_ =	sdelay $0x4  }
0x10a: {  	v3 =	vshll.u32 v2, $0x2  }
0x10b: {  	v2 =	vand.u32 $0x7, v2;
	v3 =	vand.u32 $0xFFFFFFE0, v3  }
0x10c: {  	v2 =	vor.u32 v2, v3  }
0x10d: {  	v2 =	vperm.xlane v2, v0;
	_ =	sdelay $0x1  }
0x10e: {  	v2 =	vadd.s32 v1, v2;
	_ =	sdelay $0x4  }
0x10f: {  	[tilespmem:s24], [sflag:$0x1] =	stream.indirect_vreg.gather [hbm4b:s18+s1], $0x80, v2, vm0, $0xb8;
	[tilespmem:$0x1F880] =	vst v63  }
0x110: {  	_ = 	snop  }
0x111: {  	[tilespmem:s31], [sflag:$0x1] =	stream.indirect_vreg.gather [hbm4b:s20+s1], $0x80, v2, vm0, $0xb8;
	[tilespmem:$0x1F880] =	vst v63  }
0x112: {  	_ =	swait.ge [sflag:s19], $0x1000  }
0x113: {  	[sflag:s19] =	ssyncset.done $0x0  }
0x114: {  	s3 =	rddreg [dreg:$0x1d];
	[sflag:s19] =	ssyncadd.s32 $0xFFFFF000  }
0x115: {  	[hbm4b:s3+s1] =	stream.linear.scatter [tilespmem:s24], [sflag:$0x5], $0x1000, $0x38;
	[tilespmem:$0x1F880] =	vst v63  }
0x116: {  	_ =	swait.ge [sflag:s11], $0x1000  }
0x117: {  	[sflag:s11] =	ssyncset.done $0x0  }
0x118: {  	[sflag:s11] =	ssyncadd.s32 $0xFFFFF000  }
0x119: {  	v2 =	vld.msk [tilespmem:$0x1E810], $0xff;
	_ =	sdelay $0x4  }
0x11a: {  	v3 =	vshll.u32 v2, $0x2  }
0x11b: {  	v2 =	vand.u32 $0x7, v2;
	v3 =	vand.u32 $0xFFFFFFE0, v3  }
0x11c: {  	v2 =	vor.u32 v2, v3  }
0x11d: {  	v2 =	vperm.xlane v2, v0;
	_ =	sdelay $0x1  }
0x11e: {  	v2 =	vadd.s32 v1, v2;
	_ =	sdelay $0x4  }
0x11f: {  	[tilespmem:s24], [sflag:$0x1] =	stream.indirect_vreg.gather [hbm4b:s18+s1], $0x80, v2, vm0, $0xb8;
	[tilespmem:$0x1F880] =	vst v63  }
0x120: {  	_ = 	snop  }
0x121: {  	[tilespmem:s31], [sflag:$0x1] =	stream.indirect_vreg.gather [hbm4b:s20+s1], $0x80, v2, vm0, $0xb8;
	[tilespmem:$0x1F880] =	vst v63  }
0x122: {  	_ =	swait.ge [sflag:s19], $0x1000  }
0x123: {  	[sflag:s19] =	ssyncset.done $0x0  }
0x124: {  	s4 =	rddreg [dreg:$0x1e];
	[sflag:s19] =	ssyncadd.s32 $0xFFFFF000  }
0x125: {  	[hbm4b:s4+s1] =	stream.linear.scatter [tilespmem:s24], [sflag:$0x5], $0x1000, $0x38;
	[tilespmem:$0x1F880] =	vst v63  }
0x126: {  	_ =	swait.ge [sflag:s11], $0x1000  }
0x127: {  	[sflag:s11] =	ssyncset.done $0x0  }
0x128: {  	[sflag:s11] =	ssyncadd.s32 $0xFFFFF000  }
0x129: {  	v2 =	vld.msk [tilespmem:$0x1E818], $0xff;
	_ =	sdelay $0x4  }
0x12a: {  	v3 =	vshll.u32 v2, $0x2  }
0x12b: {  	v2 =	vand.u32 $0x7, v2;
	v3 =	vand.u32 $0xFFFFFFE0, v3  }
0x12c: {  	v2 =	vor.u32 v2, v3  }
0x12d: {  	v2 =	vperm.xlane v2, v0;
	_ =	sdelay $0x1  }
0x12e: {  	v2 =	vadd.s32 v1, v2;
	_ =	sdelay $0x4  }
0x12f: {  	[tilespmem:s24], [sflag:$0x1] =	stream.indirect_vreg.gather [hbm4b:s18+s1], $0x80, v2, vm0, $0xb8;
	[tilespmem:$0x1F880] =	vst v63  }
0x130: {  	_ = 	snop  }
0x131: {  	[tilespmem:s31], [sflag:$0x1] =	stream.indirect_vreg.gather [hbm4b:s20+s1], $0x80, v2, vm0, $0xb8;
	[tilespmem:$0x1F880] =	vst v63  }
0x132: {  	_ =	swait.ge [sflag:s19], $0x1000  }
0x133: {  	[sflag:s19] =	ssyncset.done $0x0  }
0x134: {  	s5 =	rddreg [dreg:$0x1f];
	[sflag:s19] =	ssyncadd.s32 $0xFFFFF000  }
0x135: {  	[hbm4b:s5+s1] =	stream.linear.scatter [tilespmem:s24], [sflag:$0x5], $0x1000, $0x38;
	[tilespmem:$0x1F880] =	vst v63  }
0x136: {  	_ =	swait.ge [sflag:s11], $0x1000  }
0x137: {  	[sflag:s11] =	ssyncset.done $0x0  }
0x138: {  	[sflag:s11] =	ssyncadd.s32 $0xFFFFF000  }
0x139: {  	v2 =	vld.msk [tilespmem:$0x1E820], $0xff;
	_ =	sdelay $0x4  }
0x13a: {  	v3 =	vshll.u32 v2, $0x2  }
0x13b: {  	v2 =	vand.u32 $0x7, v2;
	v3 =	vand.u32 $0xFFFFFFE0, v3  }
0x13c: {  	v2 =	vor.u32 v2, v3  }
0x13d: {  	v2 =	vperm.xlane v2, v0;
	_ =	sdelay $0x1  }
0x13e: {  	v2 =	vadd.s32 v1, v2;
	_ =	sdelay $0x4  }
0x13f: {  	[tilespmem:s24], [sflag:$0x1] =	stream.indirect_vreg.gather [hbm4b:s18+s1], $0x80, v2, vm0, $0xb8;
	[tilespmem:$0x1F880] =	vst v63  }
0x140: {  	_ = 	snop  }
0x141: {  	[tilespmem:s31], [sflag:$0x1] =	stream.indirect_vreg.gather [hbm4b:s20+s1], $0x80, v2, vm0, $0xb8;
	[tilespmem:$0x1F880] =	vst v63  }
0x142: {  	_ =	swait.ge [sflag:s19], $0x1000  }
0x143: {  	s6 =	sld [smem:$0x7FA]  }
0x144: {  	[sflag:s19] =	ssyncset.done $0x0  }
0x145: {  	[sflag:s19] =	ssyncadd.s32 $0xFFFFF000  }
0x146: {  	[hbm4b:s6+s1] =	stream.linear.scatter [tilespmem:s24], [sflag:$0x5], $0x1000, $0x38;
	[tilespmem:$0x1F880] =	vst v63  }
0x147: {  	_ =	swait.ge [sflag:s11], $0x1000  }
0x148: {  	[sflag:s11] =	ssyncset.done $0x0  }
0x149: {  	[sflag:s11] =	ssyncadd.s32 $0xFFFFF000  }
0x14a: {  	v2 =	vld.msk [tilespmem:$0x1E828], $0xff;
	_ =	sdelay $0x4  }
0x14b: {  	v3 =	vshll.u32 v2, $0x2  }
0x14c: {  	v2 =	vand.u32 $0x7, v2;
	v3 =	vand.u32 $0xFFFFFFE0, v3  }
0x14d: {  	v2 =	vor.u32 v2, v3  }
0x14e: {  	v2 =	vperm.xlane v2, v0;
	_ =	sdelay $0x1  }
0x14f: {  	v2 =	vadd.s32 v1, v2;
	_ =	sdelay $0x4  }
0x150: {  	[tilespmem:s24], [sflag:$0x1] =	stream.indirect_vreg.gather [hbm4b:s18+s1], $0x80, v2, vm0, $0xb8;
	[tilespmem:$0x1F880] =	vst v63  }
0x151: {  	_ = 	snop  }
0x152: {  	[tilespmem:s31], [sflag:$0x1] =	stream.indirect_vreg.gather [hbm4b:s20+s1], $0x80, v2, vm0, $0xb8;
	[tilespmem:$0x1F880] =	vst v63  }
0x153: {  	_ =	swait.ge [sflag:s19], $0x1000  }
0x154: {  	s7 =	sld [smem:$0x7FB]  }
0x155: {  	[sflag:s19] =	ssyncset.done $0x0  }
0x156: {  	[sflag:s19] =	ssyncadd.s32 $0xFFFFF000  }
0x157: {  	[hbm4b:s7+s1] =	stream.linear.scatter [tilespmem:s24], [sflag:$0x5], $0x1000, $0x38;
	[tilespmem:$0x1F880] =	vst v63  }
0x158: {  	_ =	swait.ge [sflag:s11], $0x1000  }
0x159: {  	[sflag:s11] =	ssyncset.done $0x0  }
0x15a: {  	[sflag:s11] =	ssyncadd.s32 $0xFFFFF000  }
0x15b: {  	v2 =	vld.msk [tilespmem:$0x1E830], $0xff;
	_ =	sdelay $0x4  }
0x15c: {  	v3 =	vshll.u32 v2, $0x2  }
0x15d: {  	v2 =	vand.u32 $0x7, v2;
	v3 =	vand.u32 $0xFFFFFFE0, v3  }
0x15e: {  	v2 =	vor.u32 v2, v3  }
0x15f: {  	v2 =	vperm.xlane v2, v0;
	_ =	sdelay $0x1  }
0x160: {  	v2 =	vadd.s32 v1, v2;
	_ =	sdelay $0x4  }
0x161: {  	[tilespmem:s24], [sflag:$0x1] =	stream.indirect_vreg.gather [hbm4b:s18+s1], $0x80, v2, vm0, $0xb8;
	[tilespmem:$0x1F880] =	vst v63  }
0x162: {  	_ = 	snop  }
0x163: {  	[tilespmem:s31], [sflag:$0x1] =	stream.indirect_vreg.gather [hbm4b:s20+s1], $0x80, v2, vm0, $0xb8;
	[tilespmem:$0x1F880] =	vst v63  }
0x164: {  	_ =	swait.ge [sflag:s19], $0x1000  }
0x165: {  	s8 =	sld [smem:$0x7FC]  }
0x166: {  	[sflag:s19] =	ssyncset.done $0x0  }
0x167: {  	[sflag:s19] =	ssyncadd.s32 $0xFFFFF000  }
0x168: {  	[hbm4b:s8+s1] =	stream.linear.scatter [tilespmem:s24], [sflag:$0x5], $0x1000, $0x38;
	[tilespmem:$0x1F880] =	vst v63  }
0x169: {  	_ =	swait.ge [sflag:s11], $0x1000  }
0x16a: {  	[sflag:s11] =	ssyncset.done $0x0  }
0x16b: {  	[sflag:s11] =	ssyncadd.s32 $0xFFFFF000  }
0x16c: {  	v2 =	vld.msk [tilespmem:$0x1E838], $0xff;
	_ =	sdelay $0x4  }
0x16d: {  	v3 =	vshll.u32 v2, $0x2  }
0x16e: {  	v2 =	vand.u32 $0x7, v2;
	v3 =	vand.u32 $0xFFFFFFE0, v3  }
0x16f: {  	v2 =	vor.u32 v2, v3  }
0x170: {  	v2 =	vperm.xlane v2, v0;
	_ =	sdelay $0x1  }
0x171: {  	v2 =	vadd.s32 v1, v2;
	_ =	sdelay $0x4  }
0x172: {  	[tilespmem:s24], [sflag:$0x1] =	stream.indirect_vreg.gather [hbm4b:s18+s1], $0x80, v2, vm0, $0xb8;
	[tilespmem:$0x1F880] =	vst v63  }
0x173: {  	_ = 	snop  }
0x174: {  	[tilespmem:s31], [sflag:$0x1] =	stream.indirect_vreg.gather [hbm4b:s20+s1], $0x80, v2, vm0, $0xb8;
	[tilespmem:$0x1F880] =	vst v63  }
0x175: {  	_ =	swait.ge [sflag:s19], $0x1000  }
0x176: {  	s10 =	sld [smem:$0x7FD]  }
0x177: {  	[sflag:s19] =	ssyncset.done $0x0  }
0x178: {  	[sflag:s19] =	ssyncadd.s32 $0xFFFFF000  }
0x179: {  	[hbm4b:s10+s1] =	stream.linear.scatter [tilespmem:s24], [sflag:$0x5], $0x1000, $0x38;
	[tilespmem:$0x1F880] =	vst v63  }
0x17a: {  	_ =	swait.ge [sflag:s11], $0x1000  }
0x17b: {  	s25 =	sadd.s32 $0x1, s25;
	s16 =	rddreg [dreg:$0x13]  }
0x17c: {  	p0 =	sne.s32 s25, s16  }
.Ltmp1:
0x17d: {  	_ = 	snop;
	(pc) =	sbr.rel @!p0 .LBB2_8-.Ltmp1, $3  }
0x17e: {  	_ =	sdelay $0x1  }
0x17f: {  	[sflag:s11] =	ssyncset.done $0x0  }
0x180: {  	s7 =	simm.s32 $0x18780;
	[sflag:s11] =	ssyncadd.s32 $0xFFFFF000  }
.LBB2_1:
0x181: {  	s0 =	rddreg [dreg:$0x5]  }
0x182: {  	[tilespmem:s1], [sflag:$0x5] =	stream.linear.gather [hbm4b:s0+s1], $0x18700, $0x38;
	[tilespmem:$0x1F880] =	vst v63  }
0x183: {  	_ =	swait.ge [sflag:s11], $0x18700  }
0x184: {  	[sflag:s11] =	ssyncset.done $0x0  }
0x185: {  	s16 =	rddreg [dreg:$0x6];
	[sflag:s11] =	ssyncadd.s32 $0xFFFE7900  }
0x186: {  	[tilespmem:s12], [sflag:$0x5] =	stream.linear.gather [hbm4b:s16+s1], $0x2000, $0x38;
	[tilespmem:$0x1F880] =	vst v63  }
0x187: {  	_ =	swait.ge [sflag:s11], $0x2000  }
0x188: {  	[sflag:s11] =	ssyncset.done $0x0  }
0x189: {  	[sflag:s11] =	ssyncadd.s32 $0xFFFFE000  }
0x18a: {  	[tilespmem:s15], [sflag:$0x1] =	stream.indirect.gather [hbm4b:s2+s13], $0x80, s12, s13, $0xb8;
	[tilespmem:$0x1F880] =	vst v63  }
0x18b: {  	s4 =	smov.u32 s9;
	s0 =	simm.s32 $0x0;
	s3 =	rddreg [dreg:$0x11]  }
0x18c: {  	[tilespmem:s21], [sflag:$0x2] =	stream.indirect.gather [hbm4b:s2+s13], $0x80, s7, s13, $0xb8;
	[tilespmem:$0x1F880] =	vst v63  }
.LBB2_2:
0x18d: {  	_ =	swait.ge [sflag:s19], $0x2000  }
0x18e: {  	[sflag:s19] =	ssyncset.done $0x0  }
0x18f: {  	s5 =	sshra.s32 s0, $0x2;
	[sflag:s19] =	ssyncadd.s32 $0xFFFFE000  }
0x190: {  	v2 =	vld [tilespmem:s5+$0x18700];
	_ =	sdelay $0x7  }
0x191: {  	v2 =	vld.idx.msk [tilespmem:v2+s1+$0x0], $0xffff;
	_ =	sdelay $0x4  }
0x192: {  	[tilespmem:$0x1E700] =	vst v2  }
0x193: {  	v2 =	vld [tilespmem:s5+$0x18710];
	_ =	sdelay $0x7  }
0x194: {  	v2 =	vld.idx.msk [tilespmem:v2+s1+$0x0], $0xffff;
	_ =	sdelay $0x4  }
0x195: {  	[tilespmem:$0x1E710] =	vst v2  }
0x196: {  	v2 =	vld [tilespmem:s5+$0x18720];
	_ =	sdelay $0x7  }
0x197: {  	v2 =	vld.idx.msk [tilespmem:v2+s1+$0x0], $0xffff;
	_ =	sdelay $0x4  }
0x198: {  	[tilespmem:$0x1E720] =	vst v2  }
0x199: {  	v2 =	vld [tilespmem:s5+$0x18730];
	_ =	sdelay $0x7  }
0x19a: {  	v2 =	vld.idx.msk [tilespmem:v2+s1+$0x0], $0xffff;
	_ =	sdelay $0x4  }
0x19b: {  	p0 =	seq.s32 s0, $0x7C00;
	[tilespmem:$0x1E730] =	vst v2  }
0x19c: {  	[hbm4b:s3+s1] =	stream.linear.scatter [tilespmem:s15], [sflag:$0x3], $0x2000, $0x38;
	[tilespmem:$0x1F880] =	vst v63  }
0x19d: {  	s6 =	simm.s32 @!p0 $0x3  }
0x19e: {  	[hbm4b:s4+s1] =	stream.linear.scatter [tilespmem:s22], [sflag:$0x3], $0x40, $0x38;
	[tilespmem:$0x1F880] =	vst v63  }
0x19f: {  	_ =	swait.ge @!p0 [sflag:s6], $0x2000  }
0x1a0: {  	[sflag:s6] =	ssyncset.done @!p0 $0x0  }
0x1a1: {  	[sflag:s6] =	ssyncadd.s32 @!p0 $0xFFFFE000  }
0x1a2: {  	_ =	swait.ge @!p0 [sflag:s6], $0x40  }
0x1a3: {  	[sflag:s6] =	ssyncset.done @!p0 $0x0  }
0x1a4: {  	[sflag:s6] =	ssyncadd.s32 @!p0 $0xFFFFFFC0;
	s6 =	sshra.s32 @!p0 s0, $0x2  }
0x1a5: {  	s10 =	simm.s32 @!p0 $0x40;
	s16 =	simm.s32 @!p0 $0x1A700;
	s6 =	sadd.s32 @!p0 $0x18800, s6  }
0x1a6: {  	[tilespmem:s16], [sflag:$0x1] =	stream.indirect.gather @!p0 [hbm4b:s2+s10], $0x80, s6, s10, $0xb8;
	[tilespmem:$0x1F880] =	vst v63  }
0x1a7: {  	_ =	swait.ge [sflag:s26], $0x2000  }
0x1a8: {  	[sflag:s26] =	ssyncset.done $0x0  }
0x1a9: {  	[sflag:s26] =	ssyncadd.s32 $0xFFFFE000  }
0x1aa: {  	v2 =	vld [tilespmem:s5+$0x18780];
	_ =	sdelay $0x7  }
0x1ab: {  	v2 =	vld.idx.msk [tilespmem:v2+s1+$0x0], $0xffff;
	_ =	sdelay $0x4  }
0x1ac: {  	[tilespmem:$0x1E780] =	vst v2  }
0x1ad: {  	v2 =	vld [tilespmem:s5+$0x18790];
	_ =	sdelay $0x7  }
0x1ae: {  	v2 =	vld.idx.msk [tilespmem:v2+s1+$0x0], $0xffff;
	_ =	sdelay $0x4  }
0x1af: {  	[tilespmem:$0x1E790] =	vst v2  }
0x1b0: {  	v2 =	vld [tilespmem:s5+$0x187A0];
	_ =	sdelay $0x7  }
0x1b1: {  	v2 =	vld.idx.msk [tilespmem:v2+s1+$0x0], $0xffff;
	_ =	sdelay $0x4  }
0x1b2: {  	[tilespmem:$0x1E7A0] =	vst v2  }
0x1b3: {  	v2 =	vld [tilespmem:s5+$0x187B0];
	_ =	sdelay $0x7  }
0x1b4: {  	v2 =	vld.idx.msk [tilespmem:v2+s1+$0x0], $0xffff;
	_ =	sdelay $0x3  }
.Ltmp2:
0x1b5: {  	_ = 	snop;
	(pc) =	sbr.rel @p0 .LBB2_4-.Ltmp2, $4  }
0x1b6: {  	s10 =	sadd.s32 $0x400, s3;
	[tilespmem:$0x1E7B0] =	vst v2  }
0x1b7: {  	[hbm4b:s10+s1] =	stream.linear.scatter [tilespmem:s21], [sflag:$0x4], $0x2000, $0x38;
	[tilespmem:$0x1F880] =	vst v63  }
0x1b8: {  	s16 =	sadd.s32 $0x8, s4  }
0x1b9: {  	[hbm4b:s16+s1] =	stream.linear.scatter [tilespmem:s28], [sflag:$0x4], $0x40, $0x38;
	[tilespmem:$0x1F880] =	vst v63  }
0x1ba: {  	_ =	swait.ge [sflag:s23], $0x2000  }
0x1bb: {  	[sflag:s23] =	ssyncset.done $0x0  }
.Ltmp3:
0x1bc: {  	[sflag:s23] =	ssyncadd.s32 $0xFFFFE000;
	(pc) =	sbr.rel .LBB2_2-.Ltmp3, $4  }
0x1bd: {  	_ =	swait.ge [sflag:s23], $0x40  }
0x1be: {  	s5 =	sadd.s32 $0x18880, s5;
	s4 =	sadd.s32 $0x10, s4;
	[sflag:s23] =	ssyncset.done $0x0  }
0x1bf: {  	s3 =	sadd.s32 $0x800, s3;
	s0 =	sadd.s32 $0x400, s0;
	[sflag:s23] =	ssyncadd.s32 $0xFFFFFFC0  }
0x1c0: {  	[tilespmem:s21], [sflag:$0x2] =	stream.indirect.gather [hbm4b:s2+s13], $0x80, s5, s13, $0xb8;
	[tilespmem:$0x1F880] =	vst v63  }
.LBB2_4:
0x1c1: {  	_ =	swait.ge [sflag:s29], $0x2000  }
0x1c2: {  	[sflag:s29] =	ssyncset.done $0x0  }
0x1c3: {  	[sflag:s29] =	ssyncadd.s32 $0xFFFFE000  }
0x1c4: {  	_ =	swait.ge [sflag:s29], $0x40  }
0x1c5: {  	[sflag:s29] =	ssyncset.done $0x0  }
0x1c6: {  	[sflag:s29] =	ssyncadd.s32 $0xFFFFFFC0  }
0x1c7: {  	_ =	swait.ge [sflag:s23], $0x2000  }
0x1c8: {  	[sflag:s23] =	ssyncset.done $0x0  }
0x1c9: {  	[sflag:s23] =	ssyncadd.s32 $0xFFFFE000  }
0x1ca: {  	_ =	swait.ge [sflag:s23], $0x40  }
0x1cb: {  	[sflag:s23] =	ssyncset.done $0x0  }
0x1cc: {  	s0 =	simm.s32 $0x0;
	s3 =	rddreg [dreg:$0x7];
	[sflag:s23] =	ssyncadd.s32 $0xFFFFFFC0  }
0x1cd: {  	[tilespmem:s12], [sflag:$0x5] =	stream.linear.gather [hbm4b:s3+s0], $0x2000, $0x38;
	[tilespmem:$0x1F880] =	vst v63  }
0x1ce: {  	_ =	swait.ge [sflag:s11], $0x2000  }
0x1cf: {  	[sflag:s11] =	ssyncset.done $0x0;
	s4 =	rddreg [dreg:$0x16]  }
0x1d0: {  	s3 =	rddreg [dreg:$0x15];
	[sflag:s11] =	ssyncadd.s32 $0xFFFFE000  }
0x1d1: {  	[tilespmem:s15], [sflag:$0x1] =	stream.indirect.gather [hbm4b:s2+s13], $0x80, s12, s13, $0xb8;
	[tilespmem:$0x1F880] =	vst v63  }
0x1d2: {  	s10 =	smov.u32 s17;
	s5 =	rddreg [dreg:$0x14]  }
0x1d3: {  	[tilespmem:s21], [sflag:$0x2] =	stream.indirect.gather [hbm4b:s2+s13], $0x80, s7, s13, $0xb8;
	[tilespmem:$0x1F880] =	vst v63  }
.LBB2_5:
0x1d4: {  	_ =	swait.ge [sflag:s19], $0x2000  }
0x1d5: {  	[sflag:s19] =	ssyncset.done $0x0  }
0x1d6: {  	s6 =	sshra.s32 s0, $0x2;
	[sflag:s19] =	ssyncadd.s32 $0xFFFFE000  }
0x1d7: {  	v2 =	vld [tilespmem:s6+$0x18700];
	_ =	sdelay $0x7  }
0x1d8: {  	v2 =	vld.idx.msk [tilespmem:v2+s1+$0x0], $0xffff;
	_ =	sdelay $0x4  }
0x1d9: {  	[tilespmem:$0x1E700] =	vst v2  }
0x1da: {  	v2 =	vld [tilespmem:s6+$0x18710];
	_ =	sdelay $0x7  }
0x1db: {  	v2 =	vld.idx.msk [tilespmem:v2+s1+$0x0], $0xffff;
	_ =	sdelay $0x4  }
0x1dc: {  	[tilespmem:$0x1E710] =	vst v2  }
0x1dd: {  	v2 =	vld [tilespmem:s6+$0x18720];
	_ =	sdelay $0x7  }
0x1de: {  	v2 =	vld.idx.msk [tilespmem:v2+s1+$0x0], $0xffff;
	_ =	sdelay $0x4  }
0x1df: {  	[tilespmem:$0x1E720] =	vst v2  }
0x1e0: {  	v2 =	vld [tilespmem:s6+$0x18730];
	_ =	sdelay $0x7  }
0x1e1: {  	v2 =	vld.idx.msk [tilespmem:v2+s1+$0x0], $0xffff;
	_ =	sdelay $0x4  }
0x1e2: {  	p0 =	seq.s32 s0, $0x7C00;
	[tilespmem:$0x1E730] =	vst v2  }
0x1e3: {  	[hbm4b:s5+s1] =	stream.linear.scatter [tilespmem:s15], [sflag:$0x3], $0x2000, $0x38;
	[tilespmem:$0x1F880] =	vst v63  }
0x1e4: {  	s16 =	simm.s32 @!p0 $0x3  }
0x1e5: {  	[hbm4b:s10+s1] =	stream.linear.scatter [tilespmem:s22], [sflag:$0x3], $0x40, $0x38;
	[tilespmem:$0x1F880] =	vst v63  }
0x1e6: {  	_ =	swait.ge @!p0 [sflag:s16], $0x2000  }
0x1e7: {  	[sflag:s16] =	ssyncset.done @!p0 $0x0  }
0x1e8: {  	[sflag:s16] =	ssyncadd.s32 @!p0 $0xFFFFE000  }
0x1e9: {  	_ =	swait.ge @!p0 [sflag:s16], $0x40  }
0x1ea: {  	[sflag:s16] =	ssyncset.done @!p0 $0x0  }
0x1eb: {  	[sflag:s16] =	ssyncadd.s32 @!p0 $0xFFFFFFC0;
	s16 =	sshra.s32 @!p0 s0, $0x2  }
0x1ec: {  	s7 =	simm.s32 @!p0 $0x40;
	s8 =	simm.s32 @!p0 $0x1A700;
	s16 =	sadd.s32 @!p0 $0x18800, s16  }
0x1ed: {  	[tilespmem:s8], [sflag:$0x1] =	stream.indirect.gather @!p0 [hbm4b:s2+s7], $0x80, s16, s7, $0xb8;
	[tilespmem:$0x1F880] =	vst v63  }
0x1ee: {  	_ =	swait.ge [sflag:s26], $0x2000  }
0x1ef: {  	[sflag:s26] =	ssyncset.done $0x0  }
0x1f0: {  	[sflag:s26] =	ssyncadd.s32 $0xFFFFE000  }
0x1f1: {  	v2 =	vld [tilespmem:s6+$0x18780];
	_ =	sdelay $0x7  }
0x1f2: {  	v2 =	vld.idx.msk [tilespmem:v2+s1+$0x0], $0xffff;
	_ =	sdelay $0x4  }
0x1f3: {  	[tilespmem:$0x1E780] =	vst v2  }
0x1f4: {  	v2 =	vld [tilespmem:s6+$0x18790];
	_ =	sdelay $0x7  }
0x1f5: {  	v2 =	vld.idx.msk [tilespmem:v2+s1+$0x0], $0xffff;
	_ =	sdelay $0x4  }
0x1f6: {  	[tilespmem:$0x1E790] =	vst v2  }
0x1f7: {  	v2 =	vld [tilespmem:s6+$0x187A0];
	_ =	sdelay $0x7  }
0x1f8: {  	v2 =	vld.idx.msk [tilespmem:v2+s1+$0x0], $0xffff;
	_ =	sdelay $0x4  }
0x1f9: {  	[tilespmem:$0x1E7A0] =	vst v2  }
0x1fa: {  	v2 =	vld [tilespmem:s6+$0x187B0];
	_ =	sdelay $0x7  }
0x1fb: {  	v2 =	vld.idx.msk [tilespmem:v2+s1+$0x0], $0xffff;
	_ =	sdelay $0x3  }
.Ltmp4:
0x1fc: {  	_ = 	snop;
	(pc) =	sbr.rel @p0 .LBB2_7-.Ltmp4, $4  }
0x1fd: {  	[tilespmem:$0x1E7B0] =	vst v2  }
0x1fe: {  	[hbm4b:s3+s1] =	stream.linear.scatter [tilespmem:s21], [sflag:$0x4], $0x2000, $0x38;
	[tilespmem:$0x1F880] =	vst v63  }
0x1ff: {  	_ = 	snop  }
0x200: {  	[hbm4b:s4+s1] =	stream.linear.scatter [tilespmem:s28], [sflag:$0x4], $0x40, $0x38;
	[tilespmem:$0x1F880] =	vst v63  }
0x201: {  	_ =	swait.ge [sflag:s23], $0x2000  }
0x202: {  	[sflag:s23] =	ssyncset.done $0x0  }
.Ltmp5:
0x203: {  	[sflag:s23] =	ssyncadd.s32 $0xFFFFE000;
	(pc) =	sbr.rel .LBB2_5-.Ltmp5, $4  }
0x204: {  	s6 =	sadd.s32 $0x18880, s6;
	s5 =	sadd.s32 $0x800, s5;
	_ =	swait.ge [sflag:s23], $0x40  }
0x205: {  	s10 =	sadd.s32 $0x10, s10;
	s0 =	sadd.s32 $0x400, s0;
	[sflag:s23] =	ssyncset.done $0x0  }
0x206: {  	s3 =	sadd.s32 $0x800, s3;
	s4 =	sadd.s32 $0x10, s4;
	[sflag:s23] =	ssyncadd.s32 $0xFFFFFFC0  }
0x207: {  	[tilespmem:s21], [sflag:$0x2] =	stream.indirect.gather [hbm4b:s2+s13], $0x80, s6, s13, $0xb8;
	[tilespmem:$0x1F880] =	vst v63  }
.LBB2_8:
0x208: {  	_ =	sfence.sel $0x180000  }
0x209: {  	[bflag:$0x0] =	sbarrier.arrive $0xFFFF  }
0x20a: {  	_ =	strace $0x90000047  }
0x20b: {  	s0 =	stileid.u32;
	[bflag:$0x2] =	sbarrier.arrive $0xFFFF  }
0x20c: {  	p0 =	sne.s32 s0, $0x0;
	s0 =	rddreg [dreg:$0x4]  }
0x20d: {  	s0 =	sadd.s32 @!p0 $0x100000, s0  }
0x20e: {  	[sflag:s0] =	ssyncadd.tile.s32 @!p0 $0x1;
	_ =	shalt  }
.Lfunc_end2:
_tile_overlayer_lowered:
.L_overlay_start_2:
0x20f: {  	(tag) =	ssettag $0x2  }
0x210: {  	s0 =	rddreg [dreg:$0x0];
	s2 =	stileid.u32  }
0x211: {  	s1 =	rddreg [dreg:$0x1];
	p0 =	sne.s32 s2, $0x0  }
0x212: {  	s3 =	rddreg [dreg:$0x2];
	[bflag:$0x3] =	sbarrier.arrive $0xFFFF;
	s2 =	simm.s32 @!p0 $0x1C05  }
0x213: {  	[timem:s3], [sflag:s2] =	dma.local @!p0 [hbm:s0], s1  }
0x214: {  	s0 =	simm.s32 @!p0 $0x5  }
0x215: {  	_ =	swait.ge @!p0 [sflag:s0], s1  }
0x216: {  	s1 =	ssub.s32 @!p0 $0x0, s1;
	[sflag:s0] =	ssyncset.done @!p0 $0x0  }
0x217: {  	[sflag:s0] =	ssyncadd.s32 @!p0 s1  }
0x218: {  	[bflag:$0x3] =	sbarrier.arrive $0xFFFF  }
0x219: {  	_ =	shalt  }

</sc_bundles>
